<compile_context>
chip_gen: v7x
topology: tpu7x:2x2x1
jax: 0.10.2.dev20260603
libtpu: 0.0.44.dev20260713+nightly
codegen_flags: <defaults>
</compile_context>

<pallas_src>
import functools

import jax
import jax.numpy as jnp
from jax import lax
from jax.experimental import pallas as pl
from jax.experimental.pallas import tpu as pltpu
from jax.experimental.pallas import tpu_sc as plsc

NE = 64
D_IN = 768
D_OUT = 768
T = 2048
CHUNK = 64
PAD = T + NE * 8 + CHUNK
RBLK = 256
NW = 32
TPW = T // NW


def _routing_body(x_ref, wg_ref, p_ref, w16_ref, off_ref):
    xf = x_ref[...]
    logits = lax.dot_general(
        xf, wg_ref[...], (((1,), (1,)), ((), ())),
        preferred_element_type=jnp.float32)
    m = jnp.max(logits, axis=1, keepdims=True)
    w = 1.0 / jnp.sum(jnp.exp(logits - m), axis=1, keepdims=True)
    iota_e = lax.broadcasted_iota(jnp.int32, (T, NE), 1)
    sel = jnp.min(jnp.where(logits == m, iota_e, NE), axis=1)
    onehot = (iota_e == sel[:, None]).astype(jnp.float32)

    counts = jnp.sum(onehot, axis=0, keepdims=True)
    pcounts = jnp.floor((counts + 7.0) / 8.0) * 8.0
    tril_e = (lax.broadcasted_iota(jnp.int32, (NE, NE), 0)
              > lax.broadcasted_iota(jnp.int32, (NE, NE), 1)).astype(jnp.float32)
    offs = lax.dot_general(pcounts, tril_e, (((1,), (1,)), ((), ())),
                           preferred_element_type=jnp.float32)

    tril_t = (lax.broadcasted_iota(jnp.int32, (RBLK, RBLK), 0)
              > lax.broadcasted_iota(jnp.int32, (RBLK, RBLK), 1)).astype(jnp.float32)

    running = jnp.zeros((1, NE), jnp.float32)
    for i in range(T // RBLK):
        oh = onehot[i * RBLK:(i + 1) * RBLK, :]
        within = lax.dot_general(tril_t, oh, (((1,), (0,)), ((), ())),
                                 preferred_element_type=jnp.float32)
        pos = jnp.sum((within + running + offs) * oh, axis=1, keepdims=True)
        p_ref[i * RBLK:(i + 1) * RBLK, :] = pos.astype(jnp.int32)
        running = running + jnp.sum(oh, axis=0, keepdims=True)

    w16_ref[...] = w * jnp.ones((1, 128), jnp.float32)
    total = jnp.sum(pcounts, axis=1, keepdims=True)
    off_all = jnp.concatenate([offs, total], axis=1)
    off_ref[...] = off_all.astype(jnp.int32)


def _routing(xf, wg):
    return pl.pallas_call(
        _routing_body,
        out_shape=[
            jax.ShapeDtypeStruct((T, 1), jnp.int32),
            jax.ShapeDtypeStruct((T, 128), jnp.float32),
            jax.ShapeDtypeStruct((1, NE + 1), jnp.int32),
        ],
    )(xf, wg)


def _dispatch_body(x_hbm, p_hbm, w16_hbm, xs_hbm, ws_hbm,
                   idx_v, rows_v, w_v, sem1, sem2, sem3):
    wid = lax.axis_index("s") * 2 + lax.axis_index("c")
    base = wid * TPW
    l1 = pltpu.async_copy(p_hbm.at[pl.ds(base, TPW)], idx_v, sem1)
    l2 = pltpu.async_copy(x_hbm.at[pl.ds(base, TPW)], rows_v, sem2)
    l3 = pltpu.async_copy(w16_hbm.at[pl.ds(base, TPW)], w_v, sem3)
    l1.wait()
    l2.wait()
    l3.wait()
    c1 = pltpu.async_copy(rows_v, xs_hbm.at[idx_v], sem1)
    c2 = pltpu.async_copy(w_v, ws_hbm.at[idx_v], sem2)
    c1.wait()
    c2.wait()


def _dispatch(xf, p, w16):
    mesh = plsc.VectorSubcoreMesh(core_axis_name="c", subcore_axis_name="s")
    return pl.kernel(
        _dispatch_body,
        out_type=[
            jax.ShapeDtypeStruct((PAD, D_IN), jnp.float32),
            jax.ShapeDtypeStruct((PAD, 128), jnp.float32),
        ],
        mesh=mesh,
        scratch_types=[
            pltpu.VMEM((TPW,), jnp.int32),
            pltpu.VMEM((TPW, D_IN), jnp.float32),
            pltpu.VMEM((TPW, 128), jnp.float32),
            pltpu.SemaphoreType.DMA,
            pltpu.SemaphoreType.DMA,
            pltpu.SemaphoreType.DMA,
        ],
    )(xf, p, w16)


EPG = 4


def _experts_body(off_ref, x_ref, we_ref, be_ref, ws_ref, out_ref):
    g = pl.program_id(0)
    for j in range(EPG):
        e = g * EPG + j
        start = pl.multiple_of(off_ref[0, e], 8)
        nch = (off_ref[0, e + 1] - start + CHUNK - 1) // CHUNK
        wt = we_ref[j]
        b = be_ref[j, 0]

        def body(i, _, start=start, wt=wt, b=b):
            base = start + i * CHUNK
            xa = x_ref[pl.ds(base, CHUNK), :]
            y = lax.dot_general(xa, wt, (((1,), (1,)), ((), ())),
                                preferred_element_type=jnp.float32)
            out_ref[pl.ds(base, CHUNK), :] = (
                (y + b[None, :]) * ws_ref[pl.ds(base, CHUNK), 0:1])
            return 0

        lax.fori_loop(0, nch, body, 0)


def _experts(off, xs, we, be, ws):
    return pl.pallas_call(
        _experts_body,
        grid=(NE // EPG,),
        in_specs=[
            pl.BlockSpec(memory_space=pltpu.SMEM),
            pl.BlockSpec((PAD, D_IN), lambda g: (0, 0)),
            pl.BlockSpec((EPG, D_OUT, D_IN), lambda g: (g, 0, 0)),
            pl.BlockSpec((EPG, 1, D_OUT), lambda g: (g, 0, 0)),
            pl.BlockSpec((PAD, 128), lambda g: (0, 0)),
        ],
        out_specs=pl.BlockSpec((PAD, D_OUT), lambda g: (0, 0)),
        out_shape=jax.ShapeDtypeStruct((PAD, D_OUT), jnp.float32),
    )(off, xs, we, be.reshape(NE, 1, D_OUT), ws)


def _combine_body(ys_hbm, p_hbm, out_hbm, idx_v, rows_v, sem):
    wid = lax.axis_index("s") * 2 + lax.axis_index("c")
    base = wid * TPW
    pltpu.sync_copy(p_hbm.at[pl.ds(base, TPW)], idx_v)
    pltpu.async_copy(ys_hbm.at[idx_v], rows_v, sem).wait()
    pltpu.sync_copy(rows_v, out_hbm.at[pl.ds(base, TPW)])


def _combine(ys, p):
    mesh = plsc.VectorSubcoreMesh(core_axis_name="c", subcore_axis_name="s")
    return pl.kernel(
        _combine_body,
        out_type=jax.ShapeDtypeStruct((T, D_OUT), jnp.float32),
        mesh=mesh,
        scratch_types=[
            pltpu.VMEM((TPW,), jnp.int32),
            pltpu.VMEM((TPW, D_OUT), jnp.float32),
            pltpu.SemaphoreType.DMA,
        ],
    )(ys, p)


def kernel(x, Wg, We, be):
    Bq, Cq, _ = x.shape
    xf = x.reshape(T, D_IN)
    p2d, w16, off = _routing(xf, Wg)
    p = p2d.reshape(T)
    xs, ws = _dispatch(xf, p, w16)
    ys = _experts(off, xs, We, be, ws)
    out = _combine(ys, p)
    return out.reshape(Bq, Cq, D_OUT)

# --- scband reference (transcript-rebuilt; emitter-appended) ---
"""Pipeline reference for scband-mmlinear-25254407700650 (READ-ONLY COPY).

The authoritative reference and input builder live on the scoring server;
editing this copy changes nothing except your own understanding.
"""

import jax, jax.numpy as jnp
import numpy as np

E = 64
TOP_K = 1
IN_LEN = 768
OUT_LEN = 768
B, C = 1, 2048


def setup_inputs(seed: int = 0) -> dict:
    key = jax.random.key(seed)
    k1, k2, k3, k4 = jax.random.split(key, 4)
    x = jax.random.normal(k1, (B, C, IN_LEN), dtype=jnp.float32)
    Wg = jax.random.normal(k2, (E, IN_LEN), dtype=jnp.float32) * 0.02
    We = jax.random.normal(k3, (E, OUT_LEN, IN_LEN), dtype=jnp.float32) * 0.02
    be = jax.random.normal(k4, (E, OUT_LEN), dtype=jnp.float32) * 0.02
    return {"x": x, "Wg": Wg, "We": We, "be": be}


def reference(x, Wg, We, be):
    # x: [B, C, L] -> flatten tokens
    Bq, Cq, L = x.shape
    xf = x.reshape(-1, L)
    T = xf.shape[0]
    # Gate (nn.Linear, no bias): router_logits = x @ Wg.T
    router_logits = xf @ Wg.T
    routing_weights = jax.nn.softmax(router_logits.astype(jnp.float32), axis=1)
    top_w, selected_experts = jax.lax.top_k(routing_weights, TOP_K)
    # norm_topk_prob is False in the module -> no renormalization
    # Build per-token/per-expert combine coefficients (zero for unselected experts).
    # This is mathematically identical to the torch gather + index_add_ loop.
    coef = jnp.zeros((T, E), dtype=jnp.float32)
    coef = coef.at[jnp.arange(T)[:, None], selected_experts].add(top_w)
    final_hidden_states = jnp.zeros((T, OUT_LEN), dtype=x.dtype)
    for e in range(E):
        expert_out = xf @ We[e].T + be[e]
        final_hidden_states = final_hidden_states + coef[:, e:e + 1] * expert_out
    return final_hidden_states.reshape(Bq, Cq, OUT_LEN)

if __name__ == "__main__":
    import jax
    _d = setup_inputs()
    print(jax.jit(kernel)(*tuple(_d.values())))

</pallas_src>

<mosaic_0001>
#map = affine_map<(d0, d1) -> (0, 0)>
#map1 = affine_map<(d0, d1) -> (0)>
module attributes {stable_mosaic.version = 14 : i64} {
  func.func @_dispatch_body(%arg0: i32, %arg1: i32, %arg2: memref<2048x768xf32, #tpu.memory_space<hbm>>, %arg3: memref<2048xi32, #tpu.memory_space<hbm>>, %arg4: memref<2048x128xf32, #tpu.memory_space<hbm>>, %arg5: memref<2624x768xf32, #tpu.memory_space<hbm>>, %arg6: memref<2624x128xf32, #tpu.memory_space<hbm>>, %arg7: memref<64xi32, #tpu.memory_space<vmem>>, %arg8: memref<64x768xf32, #tpu.memory_space<vmem>>, %arg9: memref<64x128xf32, #tpu.memory_space<vmem>>, %arg10: memref<!tpu.dma_semaphore, #tpu.memory_space<semaphore_mem>>, %arg11: memref<!tpu.dma_semaphore, #tpu.memory_space<semaphore_mem>>, %arg12: memref<!tpu.dma_semaphore, #tpu.memory_space<semaphore_mem>>) attributes {dimension_semantics = [#tpu.dimension_semantics<core_parallel>, #tpu.dimension_semantics<subcore_parallel>], iteration_bounds = array<i64: 2, 16>, scalar_prefetch = 0 : i64, scratch_operands = 6 : i64, tpu.core_type = #tpu.core_type<sc_vector_subcore>, window_params = [{transform_indices = #map}, {transform_indices = #map1}, {transform_indices = #map}, {transform_indices = #map}, {transform_indices = #map}]} {
    %mul3A = arith.constant 2 : i32
    %mul3A_0 = arith.muli %arg1, %mul3A : i32
    %add3A = arith.addi %mul3A_0, %arg0 : i32
    %mul3A_1 = arith.constant 64 : i32
    %mul3A_2 = arith.muli %add3A, %mul3A_1 : i32
    %dma_start3A = tpu.memref_slice %arg3[%mul3A_2] : memref<2048xi32, #tpu.memory_space<hbm>> -> memref<64xi32, #tpu.memory_space<hbm>>
    %dma_start3A_3 = tpu.memref_slice %arg3[%mul3A_2] : memref<2048xi32, #tpu.memory_space<hbm>> -> memref<64xi32, #tpu.memory_space<hbm>>
    tpu.enqueue_dma source(%dma_start3A_3 : memref<64xi32, #tpu.memory_space<hbm>>) target(%arg7 : memref<64xi32, #tpu.memory_space<vmem>>) target_semaphore(%arg10 : memref<!tpu.dma_semaphore, #tpu.memory_space<semaphore_mem>>)
    %dma_start3A_4 = arith.constant 0 : i32
    %dma_start3A_5 = tpu.memref_slice %arg2[%mul3A_2, %dma_start3A_4] : memref<2048x768xf32, #tpu.memory_space<hbm>> -> memref<64x768xf32, #tpu.memory_space<hbm>>
    %dma_start3A_6 = arith.constant 0 : i32
    %dma_start3A_7 = tpu.memref_slice %arg2[%mul3A_2, %dma_start3A_6] : memref<2048x768xf32, #tpu.memory_space<hbm>> -> memref<64x768xf32, #tpu.memory_space<hbm>>
    tpu.enqueue_dma source(%dma_start3A_7 : memref<64x768xf32, #tpu.memory_space<hbm>>) target(%arg8 : memref<64x768xf32, #tpu.memory_space<vmem>>) target_semaphore(%arg11 : memref<!tpu.dma_semaphore, #tpu.memory_space<semaphore_mem>>)
    %dma_start3A_8 = arith.constant 0 : i32
    %dma_start3A_9 = tpu.memref_slice %arg4[%mul3A_2, %dma_start3A_8] : memref<2048x128xf32, #tpu.memory_space<hbm>> -> memref<64x128xf32, #tpu.memory_space<hbm>>
    %dma_start3A_10 = arith.constant 0 : i32
    %dma_start3A_11 = tpu.memref_slice %arg4[%mul3A_2, %dma_start3A_10] : memref<2048x128xf32, #tpu.memory_space<hbm>> -> memref<64x128xf32, #tpu.memory_space<hbm>>
    tpu.enqueue_dma source(%dma_start3A_11 : memref<64x128xf32, #tpu.memory_space<hbm>>) target(%arg9 : memref<64x128xf32, #tpu.memory_space<vmem>>) target_semaphore(%arg12 : memref<!tpu.dma_semaphore, #tpu.memory_space<semaphore_mem>>)
    %dma_wait3A = tpu.memref_slice %arg3[%mul3A_2] : memref<2048xi32, #tpu.memory_space<hbm>> -> memref<64xi32, #tpu.memory_space<hbm>>
    %dma_wait3A_12 = tpu.memref_slice %arg3[%mul3A_2] : memref<2048xi32, #tpu.memory_space<hbm>> -> memref<64xi32, #tpu.memory_space<hbm>>
    tpu.wait_dma2 semaphore(%arg10 : memref<!tpu.dma_semaphore, #tpu.memory_space<semaphore_mem>>) src(%dma_wait3A_12 : memref<64xi32, #tpu.memory_space<hbm>>) dst(%arg7 : memref<64xi32, #tpu.memory_space<vmem>>)
    %dma_wait3A_13 = arith.constant 0 : i32
    %dma_wait3A_14 = tpu.memref_slice %arg2[%mul3A_2, %dma_wait3A_13] : memref<2048x768xf32, #tpu.memory_space<hbm>> -> memref<64x768xf32, #tpu.memory_space<hbm>>
    %dma_wait3A_15 = arith.constant 0 : i32
    %dma_wait3A_16 = tpu.memref_slice %arg2[%mul3A_2, %dma_wait3A_15] : memref<2048x768xf32, #tpu.memory_space<hbm>> -> memref<64x768xf32, #tpu.memory_space<hbm>>
    tpu.wait_dma2 semaphore(%arg11 : memref<!tpu.dma_semaphore, #tpu.memory_space<semaphore_mem>>) src(%dma_wait3A_16 : memref<64x768xf32, #tpu.memory_space<hbm>>) dst(%arg8 : memref<64x768xf32, #tpu.memory_space<vmem>>)
    %dma_wait3A_17 = arith.constant 0 : i32
    %dma_wait3A_18 = tpu.memref_slice %arg4[%mul3A_2, %dma_wait3A_17] : memref<2048x128xf32, #tpu.memory_space<hbm>> -> memref<64x128xf32, #tpu.memory_space<hbm>>
    %dma_wait3A_19 = arith.constant 0 : i32
    %dma_wait3A_20 = tpu.memref_slice %arg4[%mul3A_2, %dma_wait3A_19] : memref<2048x128xf32, #tpu.memory_space<hbm>> -> memref<64x128xf32, #tpu.memory_space<hbm>>
    tpu.wait_dma2 semaphore(%arg12 : memref<!tpu.dma_semaphore, #tpu.memory_space<semaphore_mem>>) src(%dma_wait3A_20 : memref<64x128xf32, #tpu.memory_space<hbm>>) dst(%arg9 : memref<64x128xf32, #tpu.memory_space<vmem>>)
    %dma_start3A_21 = arith.constant 0 : i32
    %dma_start3A_22 = arith.constant 0 : i32
    %dma_start3A_23 = tpu.memref_slice %arg5[%dma_start3A_21, %dma_start3A_22] : memref<2624x768xf32, #tpu.memory_space<hbm>> -> memref<2624x768xf32, #tpu.memory_space<hbm>>
    tpu.enqueue_indirect_dma source(%arg8 : memref<64x768xf32, #tpu.memory_space<vmem>>) target(%dma_start3A_23 : memref<2624x768xf32, #tpu.memory_space<hbm>>) offsets(%arg7 : memref<64xi32, #tpu.memory_space<vmem>>) semaphore(%arg10 : memref<!tpu.dma_semaphore, #tpu.memory_space<semaphore_mem>>)
    %dma_start3A_24 = arith.constant 0 : i32
    %dma_start3A_25 = arith.constant 0 : i32
    %dma_start3A_26 = tpu.memref_slice %arg6[%dma_start3A_24, %dma_start3A_25] : memref<2624x128xf32, #tpu.memory_space<hbm>> -> memref<2624x128xf32, #tpu.memory_space<hbm>>
    tpu.enqueue_indirect_dma source(%arg9 : memref<64x128xf32, #tpu.memory_space<vmem>>) target(%dma_start3A_26 : memref<2624x128xf32, #tpu.memory_space<hbm>>) offsets(%arg7 : memref<64xi32, #tpu.memory_space<vmem>>) semaphore(%arg11 : memref<!tpu.dma_semaphore, #tpu.memory_space<semaphore_mem>>)
    %dma_wait3A_27 = arith.constant 0 : i32
    %dma_wait3A_28 = arith.constant 0 : i32
    %dma_wait3A_29 = tpu.memref_slice %arg5[%dma_wait3A_27, %dma_wait3A_28] : memref<2624x768xf32, #tpu.memory_space<hbm>> -> memref<2624x768xf32, #tpu.memory_space<hbm>>
    tpu.wait_indirect_dma semaphore(%arg10 : memref<!tpu.dma_semaphore, #tpu.memory_space<semaphore_mem>>) src(%arg8 : memref<64x768xf32, #tpu.memory_space<vmem>>) dst(%dma_wait3A_29 : memref<2624x768xf32, #tpu.memory_space<hbm>>)
    %dma_wait3A_30 = arith.constant 0 : i32
    %dma_wait3A_31 = arith.constant 0 : i32
    %dma_wait3A_32 = tpu.memref_slice %arg6[%dma_wait3A_30, %dma_wait3A_31] : memref<2624x128xf32, #tpu.memory_space<hbm>> -> memref<2624x128xf32, #tpu.memory_space<hbm>>
    tpu.wait_indirect_dma semaphore(%arg11 : memref<!tpu.dma_semaphore, #tpu.memory_space<semaphore_mem>>) src(%arg9 : memref<64x128xf32, #tpu.memory_space<vmem>>) dst(%dma_wait3A_32 : memref<2624x128xf32, #tpu.memory_space<hbm>>)
    return
  }
}

#map = affine_map<(d0, d1) -> (0, 0)>
#map1 = affine_map<(d0, d1) -> (0)>
module attributes {stable_mosaic.version = 14 : i64} {
  func.func @_combine_body(%arg0: i32, %arg1: i32, %arg2: memref<2624x768xf32, #tpu.memory_space<hbm>>, %arg3: memref<2048xi32, #tpu.memory_space<hbm>>, %arg4: memref<2048x768xf32, #tpu.memory_space<hbm>>, %arg5: memref<64xi32, #tpu.memory_space<vmem>>, %arg6: memref<64x768xf32, #tpu.memory_space<vmem>>, %arg7: memref<!tpu.dma_semaphore, #tpu.memory_space<semaphore_mem>>) attributes {dimension_semantics = [#tpu.dimension_semantics<core_parallel>, #tpu.dimension_semantics<subcore_parallel>], iteration_bounds = array<i64: 2, 16>, scalar_prefetch = 0 : i64, scratch_operands = 3 : i64, tpu.core_type = #tpu.core_type<sc_vector_subcore>, window_params = [{transform_indices = #map}, {transform_indices = #map1}, {transform_indices = #map}]} {
    %mul3A = arith.constant 2 : i32
    %mul3A_0 = arith.muli %arg1, %mul3A : i32
    %add3A = arith.addi %mul3A_0, %arg0 : i32
    %mul3A_1 = arith.constant 64 : i32
    %mul3A_2 = arith.muli %add3A, %mul3A_1 : i32
    "tpu.region"() ({
      %run_scoped3A = tpu.sem_alloc : memref<!tpu.dma_semaphore, #tpu.memory_space<semaphore_mem>>
      %dma_start3A_7 = tpu.memref_slice %arg3[%mul3A_2] : memref<2048xi32, #tpu.memory_space<hbm>> -> memref<64xi32, #tpu.memory_space<hbm>>
      %dma_start3A_8 = tpu.memref_slice %arg3[%mul3A_2] : memref<2048xi32, #tpu.memory_space<hbm>> -> memref<64xi32, #tpu.memory_space<hbm>>
      tpu.enqueue_dma source(%dma_start3A_8 : memref<64xi32, #tpu.memory_space<hbm>>) target(%arg5 : memref<64xi32, #tpu.memory_space<vmem>>) target_semaphore(%run_scoped3A : memref<!tpu.dma_semaphore, #tpu.memory_space<semaphore_mem>>)
      %dma_wait3A_9 = tpu.memref_slice %arg3[%mul3A_2] : memref<2048xi32, #tpu.memory_space<hbm>> -> memref<64xi32, #tpu.memory_space<hbm>>
      %dma_wait3A_10 = tpu.memref_slice %arg3[%mul3A_2] : memref<2048xi32, #tpu.memory_space<hbm>> -> memref<64xi32, #tpu.memory_space<hbm>>
      tpu.wait_dma2 semaphore(%run_scoped3A : memref<!tpu.dma_semaphore, #tpu.memory_space<semaphore_mem>>) src(%dma_wait3A_10 : memref<64xi32, #tpu.memory_space<hbm>>) dst(%arg5 : memref<64xi32, #tpu.memory_space<vmem>>)
      tpu.yield
    }) : () -> ()
    %dma_start3A = arith.constant 0 : i32
    %dma_start3A_3 = arith.constant 0 : i32
    %dma_start3A_4 = tpu.memref_slice %arg2[%dma_start3A, %dma_start3A_3] : memref<2624x768xf32, #tpu.memory_space<hbm>> -> memref<2624x768xf32, #tpu.memory_space<hbm>>
    tpu.enqueue_indirect_dma source(%dma_start3A_4 : memref<2624x768xf32, #tpu.memory_space<hbm>>) target(%arg6 : memref<64x768xf32, #tpu.memory_space<vmem>>) offsets(%arg5 : memref<64xi32, #tpu.memory_space<vmem>>) semaphore(%arg7 : memref<!tpu.dma_semaphore, #tpu.memory_space<semaphore_mem>>)
    %dma_wait3A = arith.constant 0 : i32
    %dma_wait3A_5 = arith.constant 0 : i32
    %dma_wait3A_6 = tpu.memref_slice %arg2[%dma_wait3A, %dma_wait3A_5] : memref<2624x768xf32, #tpu.memory_space<hbm>> -> memref<2624x768xf32, #tpu.memory_space<hbm>>
    tpu.wait_indirect_dma semaphore(%arg7 : memref<!tpu.dma_semaphore, #tpu.memory_space<semaphore_mem>>) src(%dma_wait3A_6 : memref<2624x768xf32, #tpu.memory_space<hbm>>) dst(%arg6 : memref<64x768xf32, #tpu.memory_space<vmem>>)
    "tpu.region"() ({
      %run_scoped3A = tpu.sem_alloc : memref<!tpu.dma_semaphore, #tpu.memory_space<semaphore_mem>>
      %dma_start3A_7 = arith.constant 0 : i32
      %dma_start3A_8 = tpu.memref_slice %arg4[%mul3A_2, %dma_start3A_7] : memref<2048x768xf32, #tpu.memory_space<hbm>> -> memref<64x768xf32, #tpu.memory_space<hbm>>
      %dma_start3A_9 = arith.constant 0 : i32
      %dma_start3A_10 = tpu.memref_slice %arg4[%mul3A_2, %dma_start3A_9] : memref<2048x768xf32, #tpu.memory_space<hbm>> -> memref<64x768xf32, #tpu.memory_space<hbm>>
      tpu.enqueue_dma source(%arg6 : memref<64x768xf32, #tpu.memory_space<vmem>>) target(%dma_start3A_10 : memref<64x768xf32, #tpu.memory_space<hbm>>) target_semaphore(%run_scoped3A : memref<!tpu.dma_semaphore, #tpu.memory_space<semaphore_mem>>)
      %dma_wait3A_11 = arith.constant 0 : i32
      %dma_wait3A_12 = tpu.memref_slice %arg4[%mul3A_2, %dma_wait3A_11] : memref<2048x768xf32, #tpu.memory_space<hbm>> -> memref<64x768xf32, #tpu.memory_space<hbm>>
      %dma_wait3A_13 = arith.constant 0 : i32
      %dma_wait3A_14 = tpu.memref_slice %arg4[%mul3A_2, %dma_wait3A_13] : memref<2048x768xf32, #tpu.memory_space<hbm>> -> memref<64x768xf32, #tpu.memory_space<hbm>>
      tpu.wait_dma2 semaphore(%run_scoped3A : memref<!tpu.dma_semaphore, #tpu.memory_space<semaphore_mem>>) src(%arg6 : memref<64x768xf32, #tpu.memory_space<vmem>>) dst(%dma_wait3A_14 : memref<64x768xf32, #tpu.memory_space<hbm>>)
      tpu.yield
    }) : () -> ()
    return
  }
}

module attributes {stable_mosaic.version = 14 : i64} {
  func.func @_routing_body(%arg0: memref<2048x768xf32, #tpu.memory_space<vmem>>, %arg1: memref<64x768xf32, #tpu.memory_space<vmem>>, %arg2: memref<2048x1xi32, #tpu.memory_space<vmem>>, %arg3: memref<2048x128xf32, #tpu.memory_space<vmem>>, %arg4: memref<1x65xi32, #tpu.memory_space<vmem>>) attributes {dimension_semantics = [], scalar_prefetch = 0 : i64, scratch_operands = 0 : i64, tpu.core_type = #tpu.core_type<tc>} {
    %get3A = arith.constant 0 : index
    %get3A_0 = arith.constant 0 : index
    %get3A_1 = vector.load %arg0[%get3A, %get3A_0] : memref<2048x768xf32, #tpu.memory_space<vmem>>, vector<2048x768xf32>
    %get3A_2 = arith.constant 0 : index
    %get3A_3 = arith.constant 0 : index
    %get3A_4 = vector.load %arg1[%get3A_2, %get3A_3] : memref<64x768xf32, #tpu.memory_space<vmem>>, vector<64x768xf32>
    %dot_general3A = arith.constant dense<0.000000e+00> : vector<2048x64xf32>
    %dot_general3A_5 = tpu.matmul %get3A_1, %get3A_4, %dot_general3A {dimension_numbers = #tpu.dot_dimension_numbers<[1], [1], [0], [0], [0, 0, 1, 0], [], []>, transpose_lhs_hint = false} : vector<2048x768xf32>, vector<64x768xf32>, vector<2048x64xf32> -> vector<2048x64xf32>
    %reduce_max3A = arith.constant dense<0xFF800000> : vector<2048xf32>
    %reduce_max3A_6 = vector.multi_reduction <maximumf>, %dot_general3A_5, %reduce_max3A [1] : vector<2048x64xf32> to vector<2048xf32>
    %broadcast_in_dim3A = vector.shape_cast %reduce_max3A_6 : vector<2048xf32> to vector<2048x1xf32>
    %sub3A = vector.broadcast %broadcast_in_dim3A : vector<2048x1xf32> to vector<2048x64xf32>
    %sub3A_7 = arith.subf %dot_general3A_5, %sub3A : vector<2048x64xf32>
    %exp3A = math.exp %sub3A_7 : vector<2048x64xf32>
    %reduce_sum3A = arith.constant dense<0.000000e+00> : vector<2048xf32>
    %reduce_sum3A_8 = vector.multi_reduction <add>, %exp3A, %reduce_sum3A [1] : vector<2048x64xf32> to vector<2048xf32>
    %broadcast_in_dim3A_9 = vector.shape_cast %reduce_sum3A_8 : vector<2048xf32> to vector<2048x1xf32>
    %div3A = arith.constant 1.000000e+00 : f32
    %div3A_10 = vector.broadcast %div3A : f32 to vector<2048x1xf32>
    %div3A_11 = arith.divf %div3A_10, %broadcast_in_dim3A_9 : vector<2048x1xf32>
    %iota3A = tpu.iota {dimensions = array<i32: 1>} : vector<2048x64xi32>
    %eq3A = vector.broadcast %broadcast_in_dim3A : vector<2048x1xf32> to vector<2048x64xf32>
    %eq3A_12 = arith.cmpf oeq, %dot_general3A_5, %eq3A : vector<2048x64xf32>
    %jit3A = arith.constant 64 : i32
    %broadcast_in_dim3A_13 = vector.broadcast %jit3A : i32 to vector<2048x64xi32>
    %select_n3A = arith.select %eq3A_12, %iota3A, %broadcast_in_dim3A_13 : vector<2048x64xi1>, vector<2048x64xi32>
    %reduce_min3A = arith.constant dense<2147483647> : vector<2048xi32>
    %reduce_min3A_14 = vector.multi_reduction <minsi>, %select_n3A, %reduce_min3A [1] : vector<2048x64xi32> to vector<2048xi32>
    %broadcast_in_dim3A_15 = vector.shape_cast %reduce_min3A_14 : vector<2048xi32> to vector<2048x1xi32>
    %eq3A_16 = vector.broadcast %broadcast_in_dim3A_15 : vector<2048x1xi32> to vector<2048x64xi32>
    %eq3A_17 = arith.cmpi eq, %iota3A, %eq3A_16 : vector<2048x64xi32>
    %convert_element_type3A = arith.extui %eq3A_17 : vector<2048x64xi1> to vector<2048x64xi32>
    %convert_element_type3A_18 = arith.sitofp %convert_element_type3A : vector<2048x64xi32> to vector<2048x64xf32>
    %reduce_sum3A_19 = arith.constant dense<0.000000e+00> : vector<64xf32>
    %reduce_sum3A_20 = vector.multi_reduction <add>, %convert_element_type3A_18, %reduce_sum3A_19 [0] : vector<2048x64xf32> to vector<64xf32>
    %broadcast_in_dim3A_21 = vector.shape_cast %reduce_sum3A_20 : vector<64xf32> to vector<1x64xf32>
    %add3A = arith.constant 7.000000e+00 : f32
    %add3A_22 = vector.broadcast %add3A : f32 to vector<1x64xf32>
    %add3A_23 = arith.addf %broadcast_in_dim3A_21, %add3A_22 : vector<1x64xf32>
    %div3A_24 = arith.constant 8.000000e+00 : f32
    %div3A_25 = vector.broadcast %div3A_24 : f32 to vector<1x64xf32>
    %div3A_26 = arith.divf %add3A_23, %div3A_25 : vector<1x64xf32>
    %floor3A = math.floor %div3A_26 : vector<1x64xf32>
    %mul3A = arith.constant 8.000000e+00 : f32
    %mul3A_27 = vector.broadcast %mul3A : f32 to vector<1x64xf32>
    %mul3A_28 = arith.mulf %floor3A, %mul3A_27 : vector<1x64xf32>
    %iota3A_29 = tpu.iota {dimensions = array<i32: 0>} : vector<64x64xi32>
    %iota3A_30 = tpu.iota {dimensions = array<i32: 1>} : vector<64x64xi32>
    %gt3A = arith.cmpi sgt, %iota3A_29, %iota3A_30 : vector<64x64xi32>
    %convert_element_type3A_31 = arith.extui %gt3A : vector<64x64xi1> to vector<64x64xi32>
    %convert_element_type3A_32 = arith.sitofp %convert_element_type3A_31 : vector<64x64xi32> to vector<64x64xf32>
    %dot_general3A_33 = arith.constant dense<0.000000e+00> : vector<1x64xf32>
    %dot_general3A_34 = tpu.matmul %mul3A_28, %convert_element_type3A_32, %dot_general3A_33 {dimension_numbers = #tpu.dot_dimension_numbers<[1], [1], [0], [0], [0, 0, 1, 0], [], []>, transpose_lhs_hint = false} : vector<1x64xf32>, vector<64x64xf32>, vector<1x64xf32> -> vector<1x64xf32>
    %iota3A_35 = tpu.iota {dimensions = array<i32: 0>} : vector<256x256xi32>
    %iota3A_36 = tpu.iota {dimensions = array<i32: 1>} : vector<256x256xi32>
    %gt3A_37 = arith.cmpi sgt, %iota3A_35, %iota3A_36 : vector<256x256xi32>
    %convert_element_type3A_38 = arith.extui %gt3A_37 : vector<256x256xi1> to vector<256x256xi32>
    %convert_element_type3A_39 = arith.sitofp %convert_element_type3A_38 : vector<256x256xi32> to vector<256x256xf32>
    %broadcast_in_dim3A_40 = arith.constant 0.000000e+00 : f32
    %broadcast_in_dim3A_41 = vector.broadcast %broadcast_in_dim3A_40 : f32 to vector<1x64xf32>
    %slice3A = vector.extract_strided_slice %convert_element_type3A_18 {offsets = [0, 0], sizes = [256, 64], strides = [1, 1]} : vector<2048x64xf32> to vector<256x64xf32>
    %dot_general3A_42 = arith.constant dense<0.000000e+00> : vector<256x64xf32>
    %dot_general3A_43 = tpu.matmul %convert_element_type3A_39, %slice3A, %dot_general3A_42 {dimension_numbers = #tpu.dot_dimension_numbers<[1], [0], [0], [1], [0, 0, 1, 1], [], []>, transpose_lhs_hint = false} : vector<256x256xf32>, vector<256x64xf32>, vector<256x64xf32> -> vector<256x64xf32>
    %add3A_44 = vector.broadcast %broadcast_in_dim3A_41 : vector<1x64xf32> to vector<256x64xf32>
    %add3A_45 = arith.addf %dot_general3A_43, %add3A_44 : vector<256x64xf32>
    %add3A_46 = vector.broadcast %dot_general3A_34 : vector<1x64xf32> to vector<256x64xf32>
    %add3A_47 = arith.addf %add3A_45, %add3A_46 : vector<256x64xf32>
    %mul3A_48 = arith.mulf %add3A_47, %slice3A : vector<256x64xf32>
    %reduce_sum3A_49 = arith.constant dense<0.000000e+00> : vector<256xf32>
    %reduce_sum3A_50 = vector.multi_reduction <add>, %mul3A_48, %reduce_sum3A_49 [1] : vector<256x64xf32> to vector<256xf32>
    %broadcast_in_dim3A_51 = vector.shape_cast %reduce_sum3A_50 : vector<256xf32> to vector<256x1xf32>
    %convert_element_type3A_52 = arith.fptosi %broadcast_in_dim3A_51 : vector<256x1xf32> to vector<256x1xi32>
    %swap3A = arith.constant 0 : index
    %swap3A_53 = arith.constant 0 : index
    %swap3A_54 = vector.load %arg2[%swap3A, %swap3A_53] : memref<2048x1xi32, #tpu.memory_space<vmem>>, vector<256x1xi32>
    tpu.vector_store %arg2[%swap3A, %swap3A_53], %convert_element_type3A_52 {strides = array<i32>} : memref<2048x1xi32, #tpu.memory_space<vmem>>, vector<256x1xi32>,
    %reduce_sum3A_55 = arith.constant dense<0.000000e+00> : vector<64xf32>
    %reduce_sum3A_56 = vector.multi_reduction <add>, %slice3A, %reduce_sum3A_55 [0] : vector<256x64xf32> to vector<64xf32>
    %broadcast_in_dim3A_57 = vector.shape_cast %reduce_sum3A_56 : vector<64xf32> to vector<1x64xf32>
    %add3A_58 = arith.addf %broadcast_in_dim3A_41, %broadcast_in_dim3A_57 : vector<1x64xf32>
    %slice3A_59 = vector.extract_strided_slice %convert_element_type3A_18 {offsets = [256, 0], sizes = [256, 64], strides = [1, 1]} : vector<2048x64xf32> to vector<256x64xf32>
    %dot_general3A_60 = arith.constant dense<0.000000e+00> : vector<256x64xf32>
    %dot_general3A_61 = tpu.matmul %convert_element_type3A_39, %slice3A_59, %dot_general3A_60 {dimension_numbers = #tpu.dot_dimension_numbers<[1], [0], [0], [1], [0, 0, 1, 1], [], []>, transpose_lhs_hint = false} : vector<256x256xf32>, vector<256x64xf32>, vector<256x64xf32> -> vector<256x64xf32>
    %add3A_62 = vector.broadcast %add3A_58 : vector<1x64xf32> to vector<256x64xf32>
    %add3A_63 = arith.addf %dot_general3A_61, %add3A_62 : vector<256x64xf32>
    %add3A_64 = vector.broadcast %dot_general3A_34 : vector<1x64xf32> to vector<256x64xf32>
    %add3A_65 = arith.addf %add3A_63, %add3A_64 : vector<256x64xf32>
    %mul3A_66 = arith.mulf %add3A_65, %slice3A_59 : vector<256x64xf32>
    %reduce_sum3A_67 = arith.constant dense<0.000000e+00> : vector<256xf32>
    %reduce_sum3A_68 = vector.multi_reduction <add>, %mul3A_66, %reduce_sum3A_67 [1] : vector<256x64xf32> to vector<256xf32>
    %broadcast_in_dim3A_69 = vector.shape_cast %reduce_sum3A_68 : vector<256xf32> to vector<256x1xf32>
    %convert_element_type3A_70 = arith.fptosi %broadcast_in_dim3A_69 : vector<256x1xf32> to vector<256x1xi32>
    %swap3A_71 = arith.constant 256 : index
    %swap3A_72 = arith.constant 0 : index
    %swap3A_73 = vector.load %arg2[%swap3A_71, %swap3A_72] : memref<2048x1xi32, #tpu.memory_space<vmem>>, vector<256x1xi32>
    tpu.vector_store %arg2[%swap3A_71, %swap3A_72], %convert_element_type3A_70 {strides = array<i32>} : memref<2048x1xi32, #tpu.memory_space<vmem>>, vector<256x1xi32>,
    %reduce_sum3A_74 = arith.constant dense<0.000000e+00> : vector<64xf32>
    %reduce_sum3A_75 = vector.multi_reduction <add>, %slice3A_59, %reduce_sum3A_74 [0] : vector<256x64xf32> to vector<64xf32>
    %broadcast_in_dim3A_76 = vector.shape_cast %reduce_sum3A_75 : vector<64xf32> to vector<1x64xf32>
    %add3A_77 = arith.addf %add3A_58, %broadcast_in_dim3A_76 : vector<1x64xf32>
    %slice3A_78 = vector.extract_strided_slice %convert_element_type3A_18 {offsets = [512, 0], sizes = [256, 64], strides = [1, 1]} : vector<2048x64xf32> to vector<256x64xf32>
    %dot_general3A_79 = arith.constant dense<0.000000e+00> : vector<256x64xf32>
    %dot_general3A_80 = tpu.matmul %convert_element_type3A_39, %slice3A_78, %dot_general3A_79 {dimension_numbers = #tpu.dot_dimension_numbers<[1], [0], [0], [1], [0, 0, 1, 1], [], []>, transpose_lhs_hint = false} : vector<256x256xf32>, vector<256x64xf32>, vector<256x64xf32> -> vector<256x64xf32>
    %add3A_81 = vector.broadcast %add3A_77 : vector<1x64xf32> to vector<256x64xf32>
    %add3A_82 = arith.addf %dot_general3A_80, %add3A_81 : vector<256x64xf32>
    %add3A_83 = vector.broadcast %dot_general3A_34 : vector<1x64xf32> to vector<256x64xf32>
    %add3A_84 = arith.addf %add3A_82, %add3A_83 : vector<256x64xf32>
    %mul3A_85 = arith.mulf %add3A_84, %slice3A_78 : vector<256x64xf32>
    %reduce_sum3A_86 = arith.constant dense<0.000000e+00> : vector<256xf32>
    %reduce_sum3A_87 = vector.multi_reduction <add>, %mul3A_85, %reduce_sum3A_86 [1] : vector<256x64xf32> to vector<256xf32>
    %broadcast_in_dim3A_88 = vector.shape_cast %reduce_sum3A_87 : vector<256xf32> to vector<256x1xf32>
    %convert_element_type3A_89 = arith.fptosi %broadcast_in_dim3A_88 : vector<256x1xf32> to vector<256x1xi32>
    %swap3A_90 = arith.constant 512 : index
    %swap3A_91 = arith.constant 0 : index
    %swap3A_92 = vector.load %arg2[%swap3A_90, %swap3A_91] : memref<2048x1xi32, #tpu.memory_space<vmem>>, vector<256x1xi32>
    tpu.vector_store %arg2[%swap3A_90, %swap3A_91], %convert_element_type3A_89 {strides = array<i32>} : memref<2048x1xi32, #tpu.memory_space<vmem>>, vector<256x1xi32>,
    %reduce_sum3A_93 = arith.constant dense<0.000000e+00> : vector<64xf32>
    %reduce_sum3A_94 = vector.multi_reduction <add>, %slice3A_78, %reduce_sum3A_93 [0] : vector<256x64xf32> to vector<64xf32>
    %broadcast_in_dim3A_95 = vector.shape_cast %reduce_sum3A_94 : vector<64xf32> to vector<1x64xf32>
    %add3A_96 = arith.addf %add3A_77, %broadcast_in_dim3A_95 : vector<1x64xf32>
    %slice3A_97 = vector.extract_strided_slice %convert_element_type3A_18 {offsets = [768, 0], sizes = [256, 64], strides = [1, 1]} : vector<2048x64xf32> to vector<256x64xf32>
    %dot_general3A_98 = arith.constant dense<0.000000e+00> : vector<256x64xf32>
    %dot_general3A_99 = tpu.matmul %convert_element_type3A_39, %slice3A_97, %dot_general3A_98 {dimension_numbers = #tpu.dot_dimension_numbers<[1], [0], [0], [1], [0, 0, 1, 1], [], []>, transpose_lhs_hint = false} : vector<256x256xf32>, vector<256x64xf32>, vector<256x64xf32> -> vector<256x64xf32>
    %add3A_100 = vector.broadcast %add3A_96 : vector<1x64xf32> to vector<256x64xf32>
    %add3A_101 = arith.addf %dot_general3A_99, %add3A_100 : vector<256x64xf32>
    %add3A_102 = vector.broadcast %dot_general3A_34 : vector<1x64xf32> to vector<256x64xf32>
    %add3A_103 = arith.addf %add3A_101, %add3A_102 : vector<256x64xf32>
    %mul3A_104 = arith.mulf %add3A_103, %slice3A_97 : vector<256x64xf32>
    %reduce_sum3A_105 = arith.constant dense<0.000000e+00> : vector<256xf32>
    %reduce_sum3A_106 = vector.multi_reduction <add>, %mul3A_104, %reduce_sum3A_105 [1] : vector<256x64xf32> to vector<256xf32>
    %broadcast_in_dim3A_107 = vector.shape_cast %reduce_sum3A_106 : vector<256xf32> to vector<256x1xf32>
    %convert_element_type3A_108 = arith.fptosi %broadcast_in_dim3A_107 : vector<256x1xf32> to vector<256x1xi32>
    %swap3A_109 = arith.constant 768 : index
    %swap3A_110 = arith.constant 0 : index
    %swap3A_111 = vector.load %arg2[%swap3A_109, %swap3A_110] : memref<2048x1xi32, #tpu.memory_space<vmem>>, vector<256x1xi32>
    tpu.vector_store %arg2[%swap3A_109, %swap3A_110], %convert_element_type3A_108 {strides = array<i32>} : memref<2048x1xi32, #tpu.memory_space<vmem>>, vector<256x1xi32>,
    %reduce_sum3A_112 = arith.constant dense<0.000000e+00> : vector<64xf32>
    %reduce_sum3A_113 = vector.multi_reduction <add>, %slice3A_97, %reduce_sum3A_112 [0] : vector<256x64xf32> to vector<64xf32>
    %broadcast_in_dim3A_114 = vector.shape_cast %reduce_sum3A_113 : vector<64xf32> to vector<1x64xf32>
    %add3A_115 = arith.addf %add3A_96, %broadcast_in_dim3A_114 : vector<1x64xf32>
    %slice3A_116 = vector.extract_strided_slice %convert_element_type3A_18 {offsets = [1024, 0], sizes = [256, 64], strides = [1, 1]} : vector<2048x64xf32> to vector<256x64xf32>
    %dot_general3A_117 = arith.constant dense<0.000000e+00> : vector<256x64xf32>
    %dot_general3A_118 = tpu.matmul %convert_element_type3A_39, %slice3A_116, %dot_general3A_117 {dimension_numbers = #tpu.dot_dimension_numbers<[1], [0], [0], [1], [0, 0, 1, 1], [], []>, transpose_lhs_hint = false} : vector<256x256xf32>, vector<256x64xf32>, vector<256x64xf32> -> vector<256x64xf32>
    %add3A_119 = vector.broadcast %add3A_115 : vector<1x64xf32> to vector<256x64xf32>
    %add3A_120 = arith.addf %dot_general3A_118, %add3A_119 : vector<256x64xf32>
    %add3A_121 = vector.broadcast %dot_general3A_34 : vector<1x64xf32> to vector<256x64xf32>
    %add3A_122 = arith.addf %add3A_120, %add3A_121 : vector<256x64xf32>
    %mul3A_123 = arith.mulf %add3A_122, %slice3A_116 : vector<256x64xf32>
    %reduce_sum3A_124 = arith.constant dense<0.000000e+00> : vector<256xf32>
    %reduce_sum3A_125 = vector.multi_reduction <add>, %mul3A_123, %reduce_sum3A_124 [1] : vector<256x64xf32> to vector<256xf32>
    %broadcast_in_dim3A_126 = vector.shape_cast %reduce_sum3A_125 : vector<256xf32> to vector<256x1xf32>
    %convert_element_type3A_127 = arith.fptosi %broadcast_in_dim3A_126 : vector<256x1xf32> to vector<256x1xi32>
    %swap3A_128 = arith.constant 1024 : index
    %swap3A_129 = arith.constant 0 : index
    %swap3A_130 = vector.load %arg2[%swap3A_128, %swap3A_129] : memref<2048x1xi32, #tpu.memory_space<vmem>>, vector<256x1xi32>
    tpu.vector_store %arg2[%swap3A_128, %swap3A_129], %convert_element_type3A_127 {strides = array<i32>} : memref<2048x1xi32, #tpu.memory_space<vmem>>, vector<256x1xi32>,
    %reduce_sum3A_131 = arith.constant dense<0.000000e+00> : vector<64xf32>
    %reduce_sum3A_132 = vector.multi_reduction <add>, %slice3A_116, %reduce_sum3A_131 [0] : vector<256x64xf32> to vector<64xf32>
    %broadcast_in_dim3A_133 = vector.shape_cast %reduce_sum3A_132 : vector<64xf32> to vector<1x64xf32>
    %add3A_134 = arith.addf %add3A_115, %broadcast_in_dim3A_133 : vector<1x64xf32>
    %slice3A_135 = vector.extract_strided_slice %convert_element_type3A_18 {offsets = [1280, 0], sizes = [256, 64], strides = [1, 1]} : vector<2048x64xf32> to vector<256x64xf32>
    %dot_general3A_136 = arith.constant dense<0.000000e+00> : vector<256x64xf32>
    %dot_general3A_137 = tpu.matmul %convert_element_type3A_39, %slice3A_135, %dot_general3A_136 {dimension_numbers = #tpu.dot_dimension_numbers<[1], [0], [0], [1], [0, 0, 1, 1], [], []>, transpose_lhs_hint = false} : vector<256x256xf32>, vector<256x64xf32>, vector<256x64xf32> -> vector<256x64xf32>
    %add3A_138 = vector.broadcast %add3A_134 : vector<1x64xf32> to vector<256x64xf32>
    %add3A_139 = arith.addf %dot_general3A_137, %add3A_138 : vector<256x64xf32>
    %add3A_140 = vector.broadcast %dot_general3A_34 : vector<1x64xf32> to vector<256x64xf32>
    %add3A_141 = arith.addf %add3A_139, %add3A_140 : vector<256x64xf32>
    %mul3A_142 = arith.mulf %add3A_141, %slice3A_135 : vector<256x64xf32>
    %reduce_sum3A_143 = arith.constant dense<0.000000e+00> : vector<256xf32>
    %reduce_sum3A_144 = vector.multi_reduction <add>, %mul3A_142, %reduce_sum3A_143 [1] : vector<256x64xf32> to vector<256xf32>
    %broadcast_in_dim3A_145 = vector.shape_cast %reduce_sum3A_144 : vector<256xf32> to vector<256x1xf32>
    %convert_element_type3A_146 = arith.fptosi %broadcast_in_dim3A_145 : vector<256x1xf32> to vector<256x1xi32>
    %swap3A_147 = arith.constant 1280 : index
    %swap3A_148 = arith.constant 0 : index
    %swap3A_149 = vector.load %arg2[%swap3A_147, %swap3A_148] : memref<2048x1xi32, #tpu.memory_space<vmem>>, vector<256x1xi32>
    tpu.vector_store %arg2[%swap3A_147, %swap3A_148], %convert_element_type3A_146 {strides = array<i32>} : memref<2048x1xi32, #tpu.memory_space<vmem>>, vector<256x1xi32>,
    %reduce_sum3A_150 = arith.constant dense<0.000000e+00> : vector<64xf32>
    %reduce_sum3A_151 = vector.multi_reduction <add>, %slice3A_135, %reduce_sum3A_150 [0] : vector<256x64xf32> to vector<64xf32>
    %broadcast_in_dim3A_152 = vector.shape_cast %reduce_sum3A_151 : vector<64xf32> to vector<1x64xf32>
    %add3A_153 = arith.addf %add3A_134, %broadcast_in_dim3A_152 : vector<1x64xf32>
    %slice3A_154 = vector.extract_strided_slice %convert_element_type3A_18 {offsets = [1536, 0], sizes = [256, 64], strides = [1, 1]} : vector<2048x64xf32> to vector<256x64xf32>
    %dot_general3A_155 = arith.constant dense<0.000000e+00> : vector<256x64xf32>
    %dot_general3A_156 = tpu.matmul %convert_element_type3A_39, %slice3A_154, %dot_general3A_155 {dimension_numbers = #tpu.dot_dimension_numbers<[1], [0], [0], [1], [0, 0, 1, 1], [], []>, transpose_lhs_hint = false} : vector<256x256xf32>, vector<256x64xf32>, vector<256x64xf32> -> vector<256x64xf32>
    %add3A_157 = vector.broadcast %add3A_153 : vector<1x64xf32> to vector<256x64xf32>
    %add3A_158 = arith.addf %dot_general3A_156, %add3A_157 : vector<256x64xf32>
    %add3A_159 = vector.broadcast %dot_general3A_34 : vector<1x64xf32> to vector<256x64xf32>
    %add3A_160 = arith.addf %add3A_158, %add3A_159 : vector<256x64xf32>
    %mul3A_161 = arith.mulf %add3A_160, %slice3A_154 : vector<256x64xf32>
    %reduce_sum3A_162 = arith.constant dense<0.000000e+00> : vector<256xf32>
    %reduce_sum3A_163 = vector.multi_reduction <add>, %mul3A_161, %reduce_sum3A_162 [1] : vector<256x64xf32> to vector<256xf32>
    %broadcast_in_dim3A_164 = vector.shape_cast %reduce_sum3A_163 : vector<256xf32> to vector<256x1xf32>
    %convert_element_type3A_165 = arith.fptosi %broadcast_in_dim3A_164 : vector<256x1xf32> to vector<256x1xi32>
    %swap3A_166 = arith.constant 1536 : index
    %swap3A_167 = arith.constant 0 : index
    %swap3A_168 = vector.load %arg2[%swap3A_166, %swap3A_167] : memref<2048x1xi32, #tpu.memory_space<vmem>>, vector<256x1xi32>
    tpu.vector_store %arg2[%swap3A_166, %swap3A_167], %convert_element_type3A_165 {strides = array<i32>} : memref<2048x1xi32, #tpu.memory_space<vmem>>, vector<256x1xi32>,
    %reduce_sum3A_169 = arith.constant dense<0.000000e+00> : vector<64xf32>
    %reduce_sum3A_170 = vector.multi_reduction <add>, %slice3A_154, %reduce_sum3A_169 [0] : vector<256x64xf32> to vector<64xf32>
    %broadcast_in_dim3A_171 = vector.shape_cast %reduce_sum3A_170 : vector<64xf32> to vector<1x64xf32>
    %add3A_172 = arith.addf %add3A_153, %broadcast_in_dim3A_171 : vector<1x64xf32>
    %slice3A_173 = vector.extract_strided_slice %convert_element_type3A_18 {offsets = [1792, 0], sizes = [256, 64], strides = [1, 1]} : vector<2048x64xf32> to vector<256x64xf32>
    %dot_general3A_174 = arith.constant dense<0.000000e+00> : vector<256x64xf32>
    %dot_general3A_175 = tpu.matmul %convert_element_type3A_39, %slice3A_173, %dot_general3A_174 {dimension_numbers = #tpu.dot_dimension_numbers<[1], [0], [0], [1], [0, 0, 1, 1], [], []>, transpose_lhs_hint = false} : vector<256x256xf32>, vector<256x64xf32>, vector<256x64xf32> -> vector<256x64xf32>
    %add3A_176 = vector.broadcast %add3A_172 : vector<1x64xf32> to vector<256x64xf32>
    %add3A_177 = arith.addf %dot_general3A_175, %add3A_176 : vector<256x64xf32>
    %add3A_178 = vector.broadcast %dot_general3A_34 : vector<1x64xf32> to vector<256x64xf32>
    %add3A_179 = arith.addf %add3A_177, %add3A_178 : vector<256x64xf32>
    %mul3A_180 = arith.mulf %add3A_179, %slice3A_173 : vector<256x64xf32>
    %reduce_sum3A_181 = arith.constant dense<0.000000e+00> : vector<256xf32>
    %reduce_sum3A_182 = vector.multi_reduction <add>, %mul3A_180, %reduce_sum3A_181 [1] : vector<256x64xf32> to vector<256xf32>
    %broadcast_in_dim3A_183 = vector.shape_cast %reduce_sum3A_182 : vector<256xf32> to vector<256x1xf32>
    %convert_element_type3A_184 = arith.fptosi %broadcast_in_dim3A_183 : vector<256x1xf32> to vector<256x1xi32>
    %swap3A_185 = arith.constant 1792 : index
    %swap3A_186 = arith.constant 0 : index
    %swap3A_187 = vector.load %arg2[%swap3A_185, %swap3A_186] : memref<2048x1xi32, #tpu.memory_space<vmem>>, vector<256x1xi32>
    tpu.vector_store %arg2[%swap3A_185, %swap3A_186], %convert_element_type3A_184 {strides = array<i32>} : memref<2048x1xi32, #tpu.memory_space<vmem>>, vector<256x1xi32>,
    %broadcast_in_dim3A_188 = arith.constant 1.000000e+00 : f32
    %broadcast_in_dim3A_189 = vector.broadcast %broadcast_in_dim3A_188 : f32 to vector<1x128xf32>
    %mul3A_190 = vector.broadcast %div3A_11 : vector<2048x1xf32> to vector<2048x128xf32>
    %mul3A_191 = vector.broadcast %broadcast_in_dim3A_189 : vector<1x128xf32> to vector<2048x128xf32>
    %mul3A_192 = arith.mulf %mul3A_190, %mul3A_191 : vector<2048x128xf32>
    %swap3A_193 = arith.constant 0 : index
    %swap3A_194 = arith.constant 0 : index
    %swap3A_195 = vector.load %arg3[%swap3A_193, %swap3A_194] : memref<2048x128xf32, #tpu.memory_space<vmem>>, vector<2048x128xf32>
    tpu.vector_store %arg3[%swap3A_193, %swap3A_194], %mul3A_192 {strides = array<i32>} : memref<2048x128xf32, #tpu.memory_space<vmem>>, vector<2048x128xf32>,
    %reduce_sum3A_196 = arith.constant dense<0.000000e+00> : vector<1xf32>
    %reduce_sum3A_197 = vector.multi_reduction <add>, %mul3A_28, %reduce_sum3A_196 [1] : vector<1x64xf32> to vector<1xf32>
    %broadcast_in_dim3A_198 = vector.shape_cast %reduce_sum3A_197 : vector<1xf32> to vector<1x1xf32>
    %concatenate3A = tpu.concatenate %dot_general3A_34, %broadcast_in_dim3A_198 in 1 : vector<1x64xf32>, vector<1x1xf32> -> vector<1x65xf32>
    %convert_element_type3A_199 = arith.fptosi %concatenate3A : vector<1x65xf32> to vector<1x65xi32>
    %swap3A_200 = arith.constant 0 : index
    %swap3A_201 = arith.constant 0 : index
    %swap3A_202 = vector.load %arg4[%swap3A_200, %swap3A_201] : memref<1x65xi32, #tpu.memory_space<vmem>>, vector<1x65xi32>
    tpu.vector_store %arg4[%swap3A_200, %swap3A_201], %convert_element_type3A_199 {strides = array<i32>} : memref<1x65xi32, #tpu.memory_space<vmem>>, vector<1x65xi32>,
    return
  }
}

module attributes {stable_mosaic.version = 14 : i64} {
  func.func @_experts_body(%arg0: i32, %arg1: memref<1x65xi32, #tpu.memory_space<smem>>, %arg2: memref<2624x768xf32, #tpu.memory_space<vmem>>, %arg3: memref<4x768x768xf32, #tpu.memory_space<vmem>>, %arg4: memref<4x1x768xf32, #tpu.memory_space<vmem>>, %arg5: memref<2624x128xf32, #tpu.memory_space<vmem>>, %arg6: memref<2624x768xf32, #tpu.memory_space<vmem>>) attributes {dimension_semantics = [#tpu.dimension_semantics<arbitrary>], iteration_bounds = array<i64: 16>, scalar_prefetch = 0 : i64, scratch_operands = 0 : i64, tpu.core_type = #tpu.core_type<tc>, window_params = [{transform_indices = @transform_0, window_bounds = array<i64: 1, 65>}, {pipeline_mode = #tpu.pipeline_mode<synchronous>, transform_indices = @transform_1, window_bounds = array<i64: 2624, 768>}, {transform_indices = @transform_2, window_bounds = array<i64: 4, 768, 768>}, {transform_indices = @transform_3, window_bounds = array<i64: 4, 1, 768>}, {pipeline_mode = #tpu.pipeline_mode<synchronous>, transform_indices = @transform_4, window_bounds = array<i64: 2624, 128>}, {pipeline_mode = #tpu.pipeline_mode<synchronous>, transform_indices = @transform_5, window_bounds = array<i64: 2624, 768>}]} {
    %mul3A = arith.constant 4 : i32
    %mul3A_0 = arith.muli %arg0, %mul3A : i32
    %add3A = arith.constant 0 : i32
    %add3A_1 = arith.addi %mul3A_0, %add3A : i32
    %get3A = arith.constant 0 : index
    %get3A_2 = arith.index_cast %add3A_1 : i32 to index
    %get3A_3 = memref.load %arg1[%get3A, %get3A_2] : memref<1x65xi32, #tpu.memory_space<smem>>
    %multiple_of3A = tpu.assume_multiple %get3A_3, 8 : i32
    %add3A_4 = arith.constant 1 : i32
    %add3A_5 = arith.addi %add3A_1, %add3A_4 : i32
    %get3A_6 = arith.constant 0 : index
    %get3A_7 = arith.index_cast %add3A_5 : i32 to index
    %get3A_8 = memref.load %arg1[%get3A_6, %get3A_7] : memref<1x65xi32, #tpu.memory_space<smem>>
    %sub3A = arith.subi %get3A_8, %multiple_of3A : i32
    %add3A_9 = arith.constant 64 : i32
    %add3A_10 = arith.addi %sub3A, %add3A_9 : i32
    %sub3A_11 = arith.constant 1 : i32
    %sub3A_12 = arith.subi %add3A_10, %sub3A_11 : i32
    %jit3A = arith.constant 64 : i32
    %div3A = arith.divsi %sub3A_12, %jit3A : i32
    %sign3A = arith.constant 0 : i32
    %sign3A_13 = arith.cmpi sgt, %sub3A_12, %sign3A : i32
    %sign3A_14 = arith.extui %sign3A_13 : i1 to i32
    %sign3A_15 = arith.constant 0 : i32
    %sign3A_16 = arith.cmpi slt, %sub3A_12, %sign3A_15 : i32
    %sign3A_17 = arith.extui %sign3A_16 : i1 to i32
    %sign3A_18 = arith.subi %sign3A_14, %sign3A_17 : i32
    %sign3A_19 = arith.constant 0 : i32
    %sign3A_20 = arith.cmpi sgt, %jit3A, %sign3A_19 : i32
    %sign3A_21 = arith.extui %sign3A_20 : i1 to i32
    %sign3A_22 = arith.constant 0 : i32
    %sign3A_23 = arith.cmpi slt, %jit3A, %sign3A_22 : i32
    %sign3A_24 = arith.extui %sign3A_23 : i1 to i32
    %sign3A_25 = arith.subi %sign3A_21, %sign3A_24 : i32
    %ne3A = arith.cmpi ne, %sign3A_18, %sign3A_25 : i32
    %rem3A = arith.remsi %sub3A_12, %jit3A : i32
    %ne3A_26 = arith.constant 0 : i32
    %ne3A_27 = arith.cmpi ne, %rem3A, %ne3A_26 : i32
    %and3A = arith.andi %ne3A, %ne3A_27 : i1
    %sub3A_28 = arith.constant 1 : i32
    %sub3A_29 = arith.subi %div3A, %sub3A_28 : i32
    %select_n3A = arith.select %and3A, %sub3A_29, %div3A : i32
    %get3A_30 = arith.constant 0 : index
    %get3A_31 = arith.constant 0 : index
    %get3A_32 = arith.constant 0 : index
    %get3A_33 = vector.load %arg3[%get3A_30, %get3A_31, %get3A_32] : memref<4x768x768xf32, #tpu.memory_space<vmem>>, vector<1x768x768xf32>
    %get3A_34 = vector.shape_cast %get3A_33 : vector<1x768x768xf32> to vector<768x768xf32>
    %get3A_35 = arith.constant 0 : index
    %get3A_36 = arith.constant 0 : index
    %get3A_37 = arith.constant 0 : index
    %get3A_38 = vector.load %arg4[%get3A_35, %get3A_36, %get3A_37] : memref<4x1x768xf32, #tpu.memory_space<vmem>>, vector<1x1x768xf32>
    %get3A_39 = vector.shape_cast %get3A_38 : vector<1x1x768xf32> to vector<768xf32>
    %while3A = arith.constant 0 : i32
    %while3A_40 = arith.constant 0 : i32
    %while3A_41 = arith.subi %select_n3A, %while3A : i32
    %while3A_42 = arith.addi %while3A, %while3A_41 : i32
    %while3A_43 = arith.constant 1 : i32
    %while3A_44 = arith.divsi %while3A_41, %while3A_43 : i32
    %while3A_45 = arith.muli %while3A_44, %while3A_43 : i32
    %while3A_46 = arith.addi %while3A, %while3A_45 : i32
    %while3A_47 = arith.constant 1 : i32
    %while3A_48 = scf.for %while3A_243 = %while3A to %while3A_46 step %while3A_47 iter_args(%while3A_244 = %while3A_40) -> (i32)  : i32 {
      %mul3A_245 = arith.constant 64 : i32
      %mul3A_246 = arith.muli %while3A_243, %mul3A_245 : i32
      %add3A_247 = arith.addi %multiple_of3A, %mul3A_246 : i32
      %get3A_248 = arith.index_cast %add3A_247 : i32 to index
      %get3A_249 = arith.constant 0 : index
      %get3A_250 = vector.load %arg2[%get3A_248, %get3A_249] : memref<2624x768xf32, #tpu.memory_space<vmem>>, vector<64x768xf32>
      %dot_general3A = arith.constant dense<0.000000e+00> : vector<64x768xf32>
      %dot_general3A_251 = tpu.matmul %get3A_250, %get3A_34, %dot_general3A {dimension_numbers = #tpu.dot_dimension_numbers<[1], [1], [0], [0], [0, 0, 1, 0], [], []>, transpose_lhs_hint = false} : vector<64x768xf32>, vector<768x768xf32>, vector<64x768xf32> -> vector<64x768xf32>
      %broadcast_in_dim3A = vector.shape_cast %get3A_39 : vector<768xf32> to vector<1x768xf32>
      %add3A_252 = vector.broadcast %broadcast_in_dim3A : vector<1x768xf32> to vector<64x768xf32>
      %add3A_253 = arith.addf %dot_general3A_251, %add3A_252 : vector<64x768xf32>
      %get3A_254 = arith.index_cast %add3A_247 : i32 to index
      %get3A_255 = arith.constant 0 : index
      %get3A_256 = vector.load %arg5[%get3A_254, %get3A_255] : memref<2624x128xf32, #tpu.memory_space<vmem>>, vector<64x1xf32>
      %mul3A_257 = vector.broadcast %get3A_256 : vector<64x1xf32> to vector<64x768xf32>
      %mul3A_258 = arith.mulf %add3A_253, %mul3A_257 : vector<64x768xf32>
      %swap3A = arith.index_cast %add3A_247 : i32 to index
      %swap3A_259 = arith.constant 0 : index
      %swap3A_260 = vector.load %arg6[%swap3A, %swap3A_259] : memref<2624x768xf32, #tpu.memory_space<vmem>>, vector<64x768xf32>
      tpu.vector_store %arg6[%swap3A, %swap3A_259], %mul3A_258 {strides = array<i32>} : memref<2624x768xf32, #tpu.memory_space<vmem>>, vector<64x768xf32>,
      %while3A_261 = arith.constant 0 : i32
      scf.yield %while3A_261 : i32
    }
    %while3A_49 = arith.constant 1 : i32
    %while3A_50 = scf.for %while3A_243 = %while3A_46 to %while3A_42 step %while3A_49 iter_args(%while3A_244 = %while3A_48) -> (i32)  : i32 {
      %mul3A_245 = arith.constant 64 : i32
      %mul3A_246 = arith.muli %while3A_243, %mul3A_245 : i32
      %add3A_247 = arith.addi %multiple_of3A, %mul3A_246 : i32
      %get3A_248 = arith.index_cast %add3A_247 : i32 to index
      %get3A_249 = arith.constant 0 : index
      %get3A_250 = vector.load %arg2[%get3A_248, %get3A_249] : memref<2624x768xf32, #tpu.memory_space<vmem>>, vector<64x768xf32>
      %dot_general3A = arith.constant dense<0.000000e+00> : vector<64x768xf32>
      %dot_general3A_251 = tpu.matmul %get3A_250, %get3A_34, %dot_general3A {dimension_numbers = #tpu.dot_dimension_numbers<[1], [1], [0], [0], [0, 0, 1, 0], [], []>, transpose_lhs_hint = false} : vector<64x768xf32>, vector<768x768xf32>, vector<64x768xf32> -> vector<64x768xf32>
      %broadcast_in_dim3A = vector.shape_cast %get3A_39 : vector<768xf32> to vector<1x768xf32>
      %add3A_252 = vector.broadcast %broadcast_in_dim3A : vector<1x768xf32> to vector<64x768xf32>
      %add3A_253 = arith.addf %dot_general3A_251, %add3A_252 : vector<64x768xf32>
      %get3A_254 = arith.index_cast %add3A_247 : i32 to index
      %get3A_255 = arith.constant 0 : index
      %get3A_256 = vector.load %arg5[%get3A_254, %get3A_255] : memref<2624x128xf32, #tpu.memory_space<vmem>>, vector<64x1xf32>
      %mul3A_257 = vector.broadcast %get3A_256 : vector<64x1xf32> to vector<64x768xf32>
      %mul3A_258 = arith.mulf %add3A_253, %mul3A_257 : vector<64x768xf32>
      %swap3A = arith.index_cast %add3A_247 : i32 to index
      %swap3A_259 = arith.constant 0 : index
      %swap3A_260 = vector.load %arg6[%swap3A, %swap3A_259] : memref<2624x768xf32, #tpu.memory_space<vmem>>, vector<64x768xf32>
      tpu.vector_store %arg6[%swap3A, %swap3A_259], %mul3A_258 {strides = array<i32>} : memref<2624x768xf32, #tpu.memory_space<vmem>>, vector<64x768xf32>,
      %while3A_261 = arith.constant 0 : i32
      scf.yield %while3A_261 : i32
    }
    %mul3A_51 = arith.constant 4 : i32
    %mul3A_52 = arith.muli %arg0, %mul3A_51 : i32
    %add3A_53 = arith.constant 1 : i32
    %add3A_54 = arith.addi %mul3A_52, %add3A_53 : i32
    %get3A_55 = arith.constant 0 : index
    %get3A_56 = arith.index_cast %add3A_54 : i32 to index
    %get3A_57 = memref.load %arg1[%get3A_55, %get3A_56] : memref<1x65xi32, #tpu.memory_space<smem>>
    %multiple_of3A_58 = tpu.assume_multiple %get3A_57, 8 : i32
    %add3A_59 = arith.constant 1 : i32
    %add3A_60 = arith.addi %add3A_54, %add3A_59 : i32
    %get3A_61 = arith.constant 0 : index
    %get3A_62 = arith.index_cast %add3A_60 : i32 to index
    %get3A_63 = memref.load %arg1[%get3A_61, %get3A_62] : memref<1x65xi32, #tpu.memory_space<smem>>
    %sub3A_64 = arith.subi %get3A_63, %multiple_of3A_58 : i32
    %add3A_65 = arith.constant 64 : i32
    %add3A_66 = arith.addi %sub3A_64, %add3A_65 : i32
    %sub3A_67 = arith.constant 1 : i32
    %sub3A_68 = arith.subi %add3A_66, %sub3A_67 : i32
    %jit3A_69 = arith.constant 64 : i32
    %div3A_70 = arith.divsi %sub3A_68, %jit3A_69 : i32
    %sign3A_71 = arith.constant 0 : i32
    %sign3A_72 = arith.cmpi sgt, %sub3A_68, %sign3A_71 : i32
    %sign3A_73 = arith.extui %sign3A_72 : i1 to i32
    %sign3A_74 = arith.constant 0 : i32
    %sign3A_75 = arith.cmpi slt, %sub3A_68, %sign3A_74 : i32
    %sign3A_76 = arith.extui %sign3A_75 : i1 to i32
    %sign3A_77 = arith.subi %sign3A_73, %sign3A_76 : i32
    %sign3A_78 = arith.constant 0 : i32
    %sign3A_79 = arith.cmpi sgt, %jit3A_69, %sign3A_78 : i32
    %sign3A_80 = arith.extui %sign3A_79 : i1 to i32
    %sign3A_81 = arith.constant 0 : i32
    %sign3A_82 = arith.cmpi slt, %jit3A_69, %sign3A_81 : i32
    %sign3A_83 = arith.extui %sign3A_82 : i1 to i32
    %sign3A_84 = arith.subi %sign3A_80, %sign3A_83 : i32
    %ne3A_85 = arith.cmpi ne, %sign3A_77, %sign3A_84 : i32
    %rem3A_86 = arith.remsi %sub3A_68, %jit3A_69 : i32
    %ne3A_87 = arith.constant 0 : i32
    %ne3A_88 = arith.cmpi ne, %rem3A_86, %ne3A_87 : i32
    %and3A_89 = arith.andi %ne3A_85, %ne3A_88 : i1
    %sub3A_90 = arith.constant 1 : i32
    %sub3A_91 = arith.subi %div3A_70, %sub3A_90 : i32
    %select_n3A_92 = arith.select %and3A_89, %sub3A_91, %div3A_70 : i32
    %get3A_93 = arith.constant 1 : index
    %get3A_94 = arith.constant 0 : index
    %get3A_95 = arith.constant 0 : index
    %get3A_96 = vector.load %arg3[%get3A_93, %get3A_94, %get3A_95] : memref<4x768x768xf32, #tpu.memory_space<vmem>>, vector<1x768x768xf32>
    %get3A_97 = vector.shape_cast %get3A_96 : vector<1x768x768xf32> to vector<768x768xf32>
    %get3A_98 = arith.constant 1 : index
    %get3A_99 = arith.constant 0 : index
    %get3A_100 = arith.constant 0 : index
    %get3A_101 = vector.load %arg4[%get3A_98, %get3A_99, %get3A_100] : memref<4x1x768xf32, #tpu.memory_space<vmem>>, vector<1x1x768xf32>
    %get3A_102 = vector.shape_cast %get3A_101 : vector<1x1x768xf32> to vector<768xf32>
    %while3A_103 = arith.constant 0 : i32
    %while3A_104 = arith.constant 0 : i32
    %while3A_105 = arith.subi %select_n3A_92, %while3A_103 : i32
    %while3A_106 = arith.addi %while3A_103, %while3A_105 : i32
    %while3A_107 = arith.constant 1 : i32
    %while3A_108 = arith.divsi %while3A_105, %while3A_107 : i32
    %while3A_109 = arith.muli %while3A_108, %while3A_107 : i32
    %while3A_110 = arith.addi %while3A_103, %while3A_109 : i32
    %while3A_111 = arith.constant 1 : i32
    %while3A_112 = scf.for %while3A_243 = %while3A_103 to %while3A_110 step %while3A_111 iter_args(%while3A_244 = %while3A_104) -> (i32)  : i32 {
      %mul3A_245 = arith.constant 64 : i32
      %mul3A_246 = arith.muli %while3A_243, %mul3A_245 : i32
      %add3A_247 = arith.addi %multiple_of3A_58, %mul3A_246 : i32
      %get3A_248 = arith.index_cast %add3A_247 : i32 to index
      %get3A_249 = arith.constant 0 : index
      %get3A_250 = vector.load %arg2[%get3A_248, %get3A_249] : memref<2624x768xf32, #tpu.memory_space<vmem>>, vector<64x768xf32>
      %dot_general3A = arith.constant dense<0.000000e+00> : vector<64x768xf32>
      %dot_general3A_251 = tpu.matmul %get3A_250, %get3A_97, %dot_general3A {dimension_numbers = #tpu.dot_dimension_numbers<[1], [1], [0], [0], [0, 0, 1, 0], [], []>, transpose_lhs_hint = false} : vector<64x768xf32>, vector<768x768xf32>, vector<64x768xf32> -> vector<64x768xf32>
      %broadcast_in_dim3A = vector.shape_cast %get3A_102 : vector<768xf32> to vector<1x768xf32>
      %add3A_252 = vector.broadcast %broadcast_in_dim3A : vector<1x768xf32> to vector<64x768xf32>
      %add3A_253 = arith.addf %dot_general3A_251, %add3A_252 : vector<64x768xf32>
      %get3A_254 = arith.index_cast %add3A_247 : i32 to index
      %get3A_255 = arith.constant 0 : index
      %get3A_256 = vector.load %arg5[%get3A_254, %get3A_255] : memref<2624x128xf32, #tpu.memory_space<vmem>>, vector<64x1xf32>
      %mul3A_257 = vector.broadcast %get3A_256 : vector<64x1xf32> to vector<64x768xf32>
      %mul3A_258 = arith.mulf %add3A_253, %mul3A_257 : vector<64x768xf32>
      %swap3A = arith.index_cast %add3A_247 : i32 to index
      %swap3A_259 = arith.constant 0 : index
      %swap3A_260 = vector.load %arg6[%swap3A, %swap3A_259] : memref<2624x768xf32, #tpu.memory_space<vmem>>, vector<64x768xf32>
      tpu.vector_store %arg6[%swap3A, %swap3A_259], %mul3A_258 {strides = array<i32>} : memref<2624x768xf32, #tpu.memory_space<vmem>>, vector<64x768xf32>,
      %while3A_261 = arith.constant 0 : i32
      scf.yield %while3A_261 : i32
    }
    %while3A_113 = arith.constant 1 : i32
    %while3A_114 = scf.for %while3A_243 = %while3A_110 to %while3A_106 step %while3A_113 iter_args(%while3A_244 = %while3A_112) -> (i32)  : i32 {
      %mul3A_245 = arith.constant 64 : i32
      %mul3A_246 = arith.muli %while3A_243, %mul3A_245 : i32
      %add3A_247 = arith.addi %multiple_of3A_58, %mul3A_246 : i32
      %get3A_248 = arith.index_cast %add3A_247 : i32 to index
      %get3A_249 = arith.constant 0 : index
      %get3A_250 = vector.load %arg2[%get3A_248, %get3A_249] : memref<2624x768xf32, #tpu.memory_space<vmem>>, vector<64x768xf32>
      %dot_general3A = arith.constant dense<0.000000e+00> : vector<64x768xf32>
      %dot_general3A_251 = tpu.matmul %get3A_250, %get3A_97, %dot_general3A {dimension_numbers = #tpu.dot_dimension_numbers<[1], [1], [0], [0], [0, 0, 1, 0], [], []>, transpose_lhs_hint = false} : vector<64x768xf32>, vector<768x768xf32>, vector<64x768xf32> -> vector<64x768xf32>
      %broadcast_in_dim3A = vector.shape_cast %get3A_102 : vector<768xf32> to vector<1x768xf32>
      %add3A_252 = vector.broadcast %broadcast_in_dim3A : vector<1x768xf32> to vector<64x768xf32>
      %add3A_253 = arith.addf %dot_general3A_251, %add3A_252 : vector<64x768xf32>
      %get3A_254 = arith.index_cast %add3A_247 : i32 to index
      %get3A_255 = arith.constant 0 : index
      %get3A_256 = vector.load %arg5[%get3A_254, %get3A_255] : memref<2624x128xf32, #tpu.memory_space<vmem>>, vector<64x1xf32>
      %mul3A_257 = vector.broadcast %get3A_256 : vector<64x1xf32> to vector<64x768xf32>
      %mul3A_258 = arith.mulf %add3A_253, %mul3A_257 : vector<64x768xf32>
      %swap3A = arith.index_cast %add3A_247 : i32 to index
      %swap3A_259 = arith.constant 0 : index
      %swap3A_260 = vector.load %arg6[%swap3A, %swap3A_259] : memref<2624x768xf32, #tpu.memory_space<vmem>>, vector<64x768xf32>
      tpu.vector_store %arg6[%swap3A, %swap3A_259], %mul3A_258 {strides = array<i32>} : memref<2624x768xf32, #tpu.memory_space<vmem>>, vector<64x768xf32>,
      %while3A_261 = arith.constant 0 : i32
      scf.yield %while3A_261 : i32
    }
    %mul3A_115 = arith.constant 4 : i32
    %mul3A_116 = arith.muli %arg0, %mul3A_115 : i32
    %add3A_117 = arith.constant 2 : i32
    %add3A_118 = arith.addi %mul3A_116, %add3A_117 : i32
    %get3A_119 = arith.constant 0 : index
    %get3A_120 = arith.index_cast %add3A_118 : i32 to index
    %get3A_121 = memref.load %arg1[%get3A_119, %get3A_120] : memref<1x65xi32, #tpu.memory_space<smem>>
    %multiple_of3A_122 = tpu.assume_multiple %get3A_121, 8 : i32
    %add3A_123 = arith.constant 1 : i32
    %add3A_124 = arith.addi %add3A_118, %add3A_123 : i32
    %get3A_125 = arith.constant 0 : index
    %get3A_126 = arith.index_cast %add3A_124 : i32 to index
    %get3A_127 = memref.load %arg1[%get3A_125, %get3A_126] : memref<1x65xi32, #tpu.memory_space<smem>>
    %sub3A_128 = arith.subi %get3A_127, %multiple_of3A_122 : i32
    %add3A_129 = arith.constant 64 : i32
    %add3A_130 = arith.addi %sub3A_128, %add3A_129 : i32
    %sub3A_131 = arith.constant 1 : i32
    %sub3A_132 = arith.subi %add3A_130, %sub3A_131 : i32
    %jit3A_133 = arith.constant 64 : i32
    %div3A_134 = arith.divsi %sub3A_132, %jit3A_133 : i32
    %sign3A_135 = arith.constant 0 : i32
    %sign3A_136 = arith.cmpi sgt, %sub3A_132, %sign3A_135 : i32
    %sign3A_137 = arith.extui %sign3A_136 : i1 to i32
    %sign3A_138 = arith.constant 0 : i32
    %sign3A_139 = arith.cmpi slt, %sub3A_132, %sign3A_138 : i32
    %sign3A_140 = arith.extui %sign3A_139 : i1 to i32
    %sign3A_141 = arith.subi %sign3A_137, %sign3A_140 : i32
    %sign3A_142 = arith.constant 0 : i32
    %sign3A_143 = arith.cmpi sgt, %jit3A_133, %sign3A_142 : i32
    %sign3A_144 = arith.extui %sign3A_143 : i1 to i32
    %sign3A_145 = arith.constant 0 : i32
    %sign3A_146 = arith.cmpi slt, %jit3A_133, %sign3A_145 : i32
    %sign3A_147 = arith.extui %sign3A_146 : i1 to i32
    %sign3A_148 = arith.subi %sign3A_144, %sign3A_147 : i32
    %ne3A_149 = arith.cmpi ne, %sign3A_141, %sign3A_148 : i32
    %rem3A_150 = arith.remsi %sub3A_132, %jit3A_133 : i32
    %ne3A_151 = arith.constant 0 : i32
    %ne3A_152 = arith.cmpi ne, %rem3A_150, %ne3A_151 : i32
    %and3A_153 = arith.andi %ne3A_149, %ne3A_152 : i1
    %sub3A_154 = arith.constant 1 : i32
    %sub3A_155 = arith.subi %div3A_134, %sub3A_154 : i32
    %select_n3A_156 = arith.select %and3A_153, %sub3A_155, %div3A_134 : i32
    %get3A_157 = arith.constant 2 : index
    %get3A_158 = arith.constant 0 : index
    %get3A_159 = arith.constant 0 : index
    %get3A_160 = vector.load %arg3[%get3A_157, %get3A_158, %get3A_159] : memref<4x768x768xf32, #tpu.memory_space<vmem>>, vector<1x768x768xf32>
    %get3A_161 = vector.shape_cast %get3A_160 : vector<1x768x768xf32> to vector<768x768xf32>
    %get3A_162 = arith.constant 2 : index
    %get3A_163 = arith.constant 0 : index
    %get3A_164 = arith.constant 0 : index
    %get3A_165 = vector.load %arg4[%get3A_162, %get3A_163, %get3A_164] : memref<4x1x768xf32, #tpu.memory_space<vmem>>, vector<1x1x768xf32>
    %get3A_166 = vector.shape_cast %get3A_165 : vector<1x1x768xf32> to vector<768xf32>
    %while3A_167 = arith.constant 0 : i32
    %while3A_168 = arith.constant 0 : i32
    %while3A_169 = arith.subi %select_n3A_156, %while3A_167 : i32
    %while3A_170 = arith.addi %while3A_167, %while3A_169 : i32
    %while3A_171 = arith.constant 1 : i32
    %while3A_172 = arith.divsi %while3A_169, %while3A_171 : i32
    %while3A_173 = arith.muli %while3A_172, %while3A_171 : i32
    %while3A_174 = arith.addi %while3A_167, %while3A_173 : i32
    %while3A_175 = arith.constant 1 : i32
    %while3A_176 = scf.for %while3A_243 = %while3A_167 to %while3A_174 step %while3A_175 iter_args(%while3A_244 = %while3A_168) -> (i32)  : i32 {
      %mul3A_245 = arith.constant 64 : i32
      %mul3A_246 = arith.muli %while3A_243, %mul3A_245 : i32
      %add3A_247 = arith.addi %multiple_of3A_122, %mul3A_246 : i32
      %get3A_248 = arith.index_cast %add3A_247 : i32 to index
      %get3A_249 = arith.constant 0 : index
      %get3A_250 = vector.load %arg2[%get3A_248, %get3A_249] : memref<2624x768xf32, #tpu.memory_space<vmem>>, vector<64x768xf32>
      %dot_general3A = arith.constant dense<0.000000e+00> : vector<64x768xf32>
      %dot_general3A_251 = tpu.matmul %get3A_250, %get3A_161, %dot_general3A {dimension_numbers = #tpu.dot_dimension_numbers<[1], [1], [0], [0], [0, 0, 1, 0], [], []>, transpose_lhs_hint = false} : vector<64x768xf32>, vector<768x768xf32>, vector<64x768xf32> -> vector<64x768xf32>
      %broadcast_in_dim3A = vector.shape_cast %get3A_166 : vector<768xf32> to vector<1x768xf32>
      %add3A_252 = vector.broadcast %broadcast_in_dim3A : vector<1x768xf32> to vector<64x768xf32>
      %add3A_253 = arith.addf %dot_general3A_251, %add3A_252 : vector<64x768xf32>
      %get3A_254 = arith.index_cast %add3A_247 : i32 to index
      %get3A_255 = arith.constant 0 : index
      %get3A_256 = vector.load %arg5[%get3A_254, %get3A_255] : memref<2624x128xf32, #tpu.memory_space<vmem>>, vector<64x1xf32>
      %mul3A_257 = vector.broadcast %get3A_256 : vector<64x1xf32> to vector<64x768xf32>
      %mul3A_258 = arith.mulf %add3A_253, %mul3A_257 : vector<64x768xf32>
      %swap3A = arith.index_cast %add3A_247 : i32 to index
      %swap3A_259 = arith.constant 0 : index
      %swap3A_260 = vector.load %arg6[%swap3A, %swap3A_259] : memref<2624x768xf32, #tpu.memory_space<vmem>>, vector<64x768xf32>
      tpu.vector_store %arg6[%swap3A, %swap3A_259], %mul3A_258 {strides = array<i32>} : memref<2624x768xf32, #tpu.memory_space<vmem>>, vector<64x768xf32>,
      %while3A_261 = arith.constant 0 : i32
      scf.yield %while3A_261 : i32
    }
    %while3A_177 = arith.constant 1 : i32
    %while3A_178 = scf.for %while3A_243 = %while3A_174 to %while3A_170 step %while3A_177 iter_args(%while3A_244 = %while3A_176) -> (i32)  : i32 {
      %mul3A_245 = arith.constant 64 : i32
      %mul3A_246 = arith.muli %while3A_243, %mul3A_245 : i32
      %add3A_247 = arith.addi %multiple_of3A_122, %mul3A_246 : i32
      %get3A_248 = arith.index_cast %add3A_247 : i32 to index
      %get3A_249 = arith.constant 0 : index
      %get3A_250 = vector.load %arg2[%get3A_248, %get3A_249] : memref<2624x768xf32, #tpu.memory_space<vmem>>, vector<64x768xf32>
      %dot_general3A = arith.constant dense<0.000000e+00> : vector<64x768xf32>
      %dot_general3A_251 = tpu.matmul %get3A_250, %get3A_161, %dot_general3A {dimension_numbers = #tpu.dot_dimension_numbers<[1], [1], [0], [0], [0, 0, 1, 0], [], []>, transpose_lhs_hint = false} : vector<64x768xf32>, vector<768x768xf32>, vector<64x768xf32> -> vector<64x768xf32>
      %broadcast_in_dim3A = vector.shape_cast %get3A_166 : vector<768xf32> to vector<1x768xf32>
      %add3A_252 = vector.broadcast %broadcast_in_dim3A : vector<1x768xf32> to vector<64x768xf32>
      %add3A_253 = arith.addf %dot_general3A_251, %add3A_252 : vector<64x768xf32>
      %get3A_254 = arith.index_cast %add3A_247 : i32 to index
      %get3A_255 = arith.constant 0 : index
      %get3A_256 = vector.load %arg5[%get3A_254, %get3A_255] : memref<2624x128xf32, #tpu.memory_space<vmem>>, vector<64x1xf32>
      %mul3A_257 = vector.broadcast %get3A_256 : vector<64x1xf32> to vector<64x768xf32>
      %mul3A_258 = arith.mulf %add3A_253, %mul3A_257 : vector<64x768xf32>
      %swap3A = arith.index_cast %add3A_247 : i32 to index
      %swap3A_259 = arith.constant 0 : index
      %swap3A_260 = vector.load %arg6[%swap3A, %swap3A_259] : memref<2624x768xf32, #tpu.memory_space<vmem>>, vector<64x768xf32>
      tpu.vector_store %arg6[%swap3A, %swap3A_259], %mul3A_258 {strides = array<i32>} : memref<2624x768xf32, #tpu.memory_space<vmem>>, vector<64x768xf32>,
      %while3A_261 = arith.constant 0 : i32
      scf.yield %while3A_261 : i32
    }
    %mul3A_179 = arith.constant 4 : i32
    %mul3A_180 = arith.muli %arg0, %mul3A_179 : i32
    %add3A_181 = arith.constant 3 : i32
    %add3A_182 = arith.addi %mul3A_180, %add3A_181 : i32
    %get3A_183 = arith.constant 0 : index
    %get3A_184 = arith.index_cast %add3A_182 : i32 to index
    %get3A_185 = memref.load %arg1[%get3A_183, %get3A_184] : memref<1x65xi32, #tpu.memory_space<smem>>
    %multiple_of3A_186 = tpu.assume_multiple %get3A_185, 8 : i32
    %add3A_187 = arith.constant 1 : i32
    %add3A_188 = arith.addi %add3A_182, %add3A_187 : i32
    %get3A_189 = arith.constant 0 : index
    %get3A_190 = arith.index_cast %add3A_188 : i32 to index
    %get3A_191 = memref.load %arg1[%get3A_189, %get3A_190] : memref<1x65xi32, #tpu.memory_space<smem>>
    %sub3A_192 = arith.subi %get3A_191, %multiple_of3A_186 : i32
    %add3A_193 = arith.constant 64 : i32
    %add3A_194 = arith.addi %sub3A_192, %add3A_193 : i32
    %sub3A_195 = arith.constant 1 : i32
    %sub3A_196 = arith.subi %add3A_194, %sub3A_195 : i32
    %jit3A_197 = arith.constant 64 : i32
    %div3A_198 = arith.divsi %sub3A_196, %jit3A_197 : i32
    %sign3A_199 = arith.constant 0 : i32
    %sign3A_200 = arith.cmpi sgt, %sub3A_196, %sign3A_199 : i32
    %sign3A_201 = arith.extui %sign3A_200 : i1 to i32
    %sign3A_202 = arith.constant 0 : i32
    %sign3A_203 = arith.cmpi slt, %sub3A_196, %sign3A_202 : i32
    %sign3A_204 = arith.extui %sign3A_203 : i1 to i32
    %sign3A_205 = arith.subi %sign3A_201, %sign3A_204 : i32
    %sign3A_206 = arith.constant 0 : i32
    %sign3A_207 = arith.cmpi sgt, %jit3A_197, %sign3A_206 : i32
    %sign3A_208 = arith.extui %sign3A_207 : i1 to i32
    %sign3A_209 = arith.constant 0 : i32
    %sign3A_210 = arith.cmpi slt, %jit3A_197, %sign3A_209 : i32
    %sign3A_211 = arith.extui %sign3A_210 : i1 to i32
    %sign3A_212 = arith.subi %sign3A_208, %sign3A_211 : i32
    %ne3A_213 = arith.cmpi ne, %sign3A_205, %sign3A_212 : i32
    %rem3A_214 = arith.remsi %sub3A_196, %jit3A_197 : i32
    %ne3A_215 = arith.constant 0 : i32
    %ne3A_216 = arith.cmpi ne, %rem3A_214, %ne3A_215 : i32
    %and3A_217 = arith.andi %ne3A_213, %ne3A_216 : i1
    %sub3A_218 = arith.constant 1 : i32
    %sub3A_219 = arith.subi %div3A_198, %sub3A_218 : i32
    %select_n3A_220 = arith.select %and3A_217, %sub3A_219, %div3A_198 : i32
    %get3A_221 = arith.constant 3 : index
    %get3A_222 = arith.constant 0 : index
    %get3A_223 = arith.constant 0 : index
    %get3A_224 = vector.load %arg3[%get3A_221, %get3A_222, %get3A_223] : memref<4x768x768xf32, #tpu.memory_space<vmem>>, vector<1x768x768xf32>
    %get3A_225 = vector.shape_cast %get3A_224 : vector<1x768x768xf32> to vector<768x768xf32>
    %get3A_226 = arith.constant 3 : index
    %get3A_227 = arith.constant 0 : index
    %get3A_228 = arith.constant 0 : index
    %get3A_229 = vector.load %arg4[%get3A_226, %get3A_227, %get3A_228] : memref<4x1x768xf32, #tpu.memory_space<vmem>>, vector<1x1x768xf32>
    %get3A_230 = vector.shape_cast %get3A_229 : vector<1x1x768xf32> to vector<768xf32>
    %while3A_231 = arith.constant 0 : i32
    %while3A_232 = arith.constant 0 : i32
    %while3A_233 = arith.subi %select_n3A_220, %while3A_231 : i32
    %while3A_234 = arith.addi %while3A_231, %while3A_233 : i32
    %while3A_235 = arith.constant 1 : i32
    %while3A_236 = arith.divsi %while3A_233, %while3A_235 : i32
    %while3A_237 = arith.muli %while3A_236, %while3A_235 : i32
    %while3A_238 = arith.addi %while3A_231, %while3A_237 : i32
    %while3A_239 = arith.constant 1 : i32
    %while3A_240 = scf.for %while3A_243 = %while3A_231 to %while3A_238 step %while3A_239 iter_args(%while3A_244 = %while3A_232) -> (i32)  : i32 {
      %mul3A_245 = arith.constant 64 : i32
      %mul3A_246 = arith.muli %while3A_243, %mul3A_245 : i32
      %add3A_247 = arith.addi %multiple_of3A_186, %mul3A_246 : i32
      %get3A_248 = arith.index_cast %add3A_247 : i32 to index
      %get3A_249 = arith.constant 0 : index
      %get3A_250 = vector.load %arg2[%get3A_248, %get3A_249] : memref<2624x768xf32, #tpu.memory_space<vmem>>, vector<64x768xf32>
      %dot_general3A = arith.constant dense<0.000000e+00> : vector<64x768xf32>
      %dot_general3A_251 = tpu.matmul %get3A_250, %get3A_225, %dot_general3A {dimension_numbers = #tpu.dot_dimension_numbers<[1], [1], [0], [0], [0, 0, 1, 0], [], []>, transpose_lhs_hint = false} : vector<64x768xf32>, vector<768x768xf32>, vector<64x768xf32> -> vector<64x768xf32>
      %broadcast_in_dim3A = vector.shape_cast %get3A_230 : vector<768xf32> to vector<1x768xf32>
      %add3A_252 = vector.broadcast %broadcast_in_dim3A : vector<1x768xf32> to vector<64x768xf32>
      %add3A_253 = arith.addf %dot_general3A_251, %add3A_252 : vector<64x768xf32>
      %get3A_254 = arith.index_cast %add3A_247 : i32 to index
      %get3A_255 = arith.constant 0 : index
      %get3A_256 = vector.load %arg5[%get3A_254, %get3A_255] : memref<2624x128xf32, #tpu.memory_space<vmem>>, vector<64x1xf32>
      %mul3A_257 = vector.broadcast %get3A_256 : vector<64x1xf32> to vector<64x768xf32>
      %mul3A_258 = arith.mulf %add3A_253, %mul3A_257 : vector<64x768xf32>
      %swap3A = arith.index_cast %add3A_247 : i32 to index
      %swap3A_259 = arith.constant 0 : index
      %swap3A_260 = vector.load %arg6[%swap3A, %swap3A_259] : memref<2624x768xf32, #tpu.memory_space<vmem>>, vector<64x768xf32>
      tpu.vector_store %arg6[%swap3A, %swap3A_259], %mul3A_258 {strides = array<i32>} : memref<2624x768xf32, #tpu.memory_space<vmem>>, vector<64x768xf32>,
      %while3A_261 = arith.constant 0 : i32
      scf.yield %while3A_261 : i32
    }
    %while3A_241 = arith.constant 1 : i32
    %while3A_242 = scf.for %while3A_243 = %while3A_238 to %while3A_234 step %while3A_241 iter_args(%while3A_244 = %while3A_240) -> (i32)  : i32 {
      %mul3A_245 = arith.constant 64 : i32
      %mul3A_246 = arith.muli %while3A_243, %mul3A_245 : i32
      %add3A_247 = arith.addi %multiple_of3A_186, %mul3A_246 : i32
      %get3A_248 = arith.index_cast %add3A_247 : i32 to index
      %get3A_249 = arith.constant 0 : index
      %get3A_250 = vector.load %arg2[%get3A_248, %get3A_249] : memref<2624x768xf32, #tpu.memory_space<vmem>>, vector<64x768xf32>
      %dot_general3A = arith.constant dense<0.000000e+00> : vector<64x768xf32>
      %dot_general3A_251 = tpu.matmul %get3A_250, %get3A_225, %dot_general3A {dimension_numbers = #tpu.dot_dimension_numbers<[1], [1], [0], [0], [0, 0, 1, 0], [], []>, transpose_lhs_hint = false} : vector<64x768xf32>, vector<768x768xf32>, vector<64x768xf32> -> vector<64x768xf32>
      %broadcast_in_dim3A = vector.shape_cast %get3A_230 : vector<768xf32> to vector<1x768xf32>
      %add3A_252 = vector.broadcast %broadcast_in_dim3A : vector<1x768xf32> to vector<64x768xf32>
      %add3A_253 = arith.addf %dot_general3A_251, %add3A_252 : vector<64x768xf32>
      %get3A_254 = arith.index_cast %add3A_247 : i32 to index
      %get3A_255 = arith.constant 0 : index
      %get3A_256 = vector.load %arg5[%get3A_254, %get3A_255] : memref<2624x128xf32, #tpu.memory_space<vmem>>, vector<64x1xf32>
      %mul3A_257 = vector.broadcast %get3A_256 : vector<64x1xf32> to vector<64x768xf32>
      %mul3A_258 = arith.mulf %add3A_253, %mul3A_257 : vector<64x768xf32>
      %swap3A = arith.index_cast %add3A_247 : i32 to index
      %swap3A_259 = arith.constant 0 : index
      %swap3A_260 = vector.load %arg6[%swap3A, %swap3A_259] : memref<2624x768xf32, #tpu.memory_space<vmem>>, vector<64x768xf32>
      tpu.vector_store %arg6[%swap3A, %swap3A_259], %mul3A_258 {strides = array<i32>} : memref<2624x768xf32, #tpu.memory_space<vmem>>, vector<64x768xf32>,
      %while3A_261 = arith.constant 0 : i32
      scf.yield %while3A_261 : i32
    }
    return
  }
  func.func @transform_0(%arg0: i32) -> (i32, i32) {
    %c0_i32 = arith.constant 0 : i32
    %c0_i32_0 = arith.constant 0 : i32
    %c0_i32_1 = arith.constant 0 : i32
    return %c0_i32, %c0_i32_0 : i32, i32
  }
  func.func @transform_1(%arg0: i32) -> (i32, i32) {
    %c0_i32 = arith.constant 0 : i32
    %c0_i32_0 = arith.constant 0 : i32
    %c0_i32_1 = arith.constant 0 : i32
    return %c0_i32, %c0_i32_0 : i32, i32
  }
  func.func @transform_2(%arg0: i32) -> (i32, i32, i32) {
    %c0_i32 = arith.constant 0 : i32
    %c0_i32_0 = arith.constant 0 : i32
    %c0_i32_1 = arith.constant 0 : i32
    return %arg0, %c0_i32, %c0_i32_0 : i32, i32, i32
  }
  func.func @transform_3(%arg0: i32) -> (i32, i32, i32) {
    %c0_i32 = arith.constant 0 : i32
    %c0_i32_0 = arith.constant 0 : i32
    %c0_i32_1 = arith.constant 0 : i32
    return %arg0, %c0_i32, %c0_i32_0 : i32, i32, i32
  }
  func.func @transform_4(%arg0: i32) -> (i32, i32) {
    %c0_i32 = arith.constant 0 : i32
    %c0_i32_0 = arith.constant 0 : i32
    %c0_i32_1 = arith.constant 0 : i32
    return %c0_i32, %c0_i32_0 : i32, i32
  }
  func.func @transform_5(%arg0: i32) -> (i32, i32) {
    %c0_i32 = arith.constant 0 : i32
    %c0_i32_0 = arith.constant 0 : i32
    %c0_i32_1 = arith.constant 0 : i32
    return %c0_i32, %c0_i32_0 : i32, i32
  }
}

</mosaic_0001>

<sc_bundles>
// kernel: kernel.6.cloned.1.call-start
scs
__scs_entry_jumppad:
0x0: {  	(pc) =	sbr.rel $0x88, $3  }
0x1: {  	(tag) =	ssettag $0x0;
	lr =	simm.s32 $0x1  }
0x2: {  	[smem:$0x3F9D] =	sst lr;
	_ =	strace $0xD0000000  }
0x3: {  	_ = 	snop  }
0x4: {  	_ = 	snop  }
0x5: {  	_ = 	snop  }
0x6: {  	_ = 	snop  }
0x7: {  	_ = 	snop  }
__scs_overlays_trampoline_lowered:
0x8: {  	[smem:$0x3FAC] =	sst s0  }
0x9: {  	[smem:$0x3FAD] =	sst s1  }
0xa: {  	[smem:$0x3FAE] =	sst s2  }
0xb: {  	[smem:$0x3FAF] =	sst s3  }
0xc: {  	[smem:$0x3FB0] =	sst s4  }
0xd: {  	[smem:$0x3FB1] =	sst s5  }
0xe: {  	[smem:$0x3FB2] =	sst s6  }
0xf: {  	[smem:$0x3FB3] =	sst s7  }
0x10: {  	[smem:$0x3FB4] =	sst s8  }
0x11: {  	[smem:$0x3FB5] =	sst s9;
	s0 =	simm.s32 @!p0 $0x0  }
0x12: {  	s1 =	sld [smem:$0x3F9B];
	s0 =	simm.s32 @p0 $0x1  }
0x13: {  	[smem:$0x3FB6] =	sst s0;
	s0 =	simm.s32 @!p1 $0x0  }
0x14: {  	s2 =	sld [smem:$0x3F9A];
	s0 =	simm.s32 @p1 $0x1  }
0x15: {  	[smem:$0x3FB7] =	sst s0;
	s0 =	simm.s32 @!p2 $0x0  }
0x16: {  	s3 =	sld [smem:$0x3FDB];
	s0 =	simm.s32 @p2 $0x1  }
0x17: {  	s4 =	simm.s32 $0x1BF5;
	[smem:$0x3FB9] =	sst s0  }
0x18: {  	s0 =	sld [smem:$0x3F9C];
	_ =	swait.ge [sflag:s4], $0x0  }
0x19: {  	s7 =	sld [smem:$0x3F9D]  }
0x1a: {  	s8 =	sadd.s32 $0xFFFFE003, lr  }
0x1b: {  	s9 =	sadd.s32 $0xFFFFFEF7, lr;
	s5 =	simm.s32 $0xFFFFFFFF;
	p2 =	slt.u32 s8, $0xFFFFF086  }
0x1c: {  	p1 =	slt.u32 s9, $0xF7A;
	s5 =	simm.s32 @!p2 $0x0  }
0x1d: {  	s5 =	simm.s32 @p1 $0x1;
	p0 =	seq.s32 s7, s2  }
0x1e: {  	s7 =	smul.u32 @!p0 $0xF7A, s2;
	p2 =	seq.s32 @!p0 s5, $0x0  }
0x1f: {  	s9 =	smul.u32 $0xF7A, s1;
	s8 =	simm.s32 @!p0 $0x1BF5;
	p2 =	por !p2, p0  }
0x20: {  	[sflag:s8] =	ssyncset.s32 @!p0 $0xFFFFF086;
	s6 =	sadd.s32 @!p0 s3, s7;
	s7 =	simm.s32 @!p0 $0x108  }
0x21: {  	s3 =	sadd.s32 s3, s9;
	s6 =	sadd.s32 @!p0 $0x88, s6;
	s7 =	simm.s32 @p2 $0x1082  }
0x22: {  	[simem:s7], [sflag:s8] =	dma.local @!p0 [hbm:s6], $0xF7A  }
0x23: {  	s9 =	sor.u32 $0xD0000000, s2;
	s6 =	simm.s32 $0x108;
	_ =	swait.ge @!p0 [sflag:s8], $0x0  }
0x24: {  	s3 =	sadd.s32 $0x88, s3;
	s6 =	simm.s32 @!p1 $0x1082;
	[sflag:s4] =	ssyncset.s32 $0xFFFFF086  }
0x25: {  	[simem:s6], [sflag:s4] =	dma.local [hbm:s3], $0xF7A  }
0x26: {  	[smem:$0x3F9D] =	sst s1;
	(tag) =	ssettag s2;
	_ =	strace s9  }
0x27: {  	s1 =	sld [smem:$0x3FAD]  }
0x28: {  	s2 =	sld [smem:$0x3FAE]  }
0x29: {  	s4 =	sld [smem:$0x3FB0]  }
0x2a: {  	p0 =	seq.s32 s5, $0x0;
	s5 =	sld [smem:$0x3FB1]  }
0x2b: {  	s6 =	sld [smem:$0x3FB2]  }
0x2c: {  	s7 =	sld [smem:$0x3FB3]  }
0x2d: {  	s3 =	simm.s32 $0x108;
	s8 =	sld [smem:$0x3FB4]  }
0x2e: {  	s3 =	simm.s32 @!p0 $0x1082;
	s9 =	sld [smem:$0x3FB5]  }
0x2f: {  	lr =	sadd.s32 s0, s3;
	s0 =	sld [smem:$0x3FAC]  }
0x30: {  	s3 =	sld [smem:$0x3FAF]  }
0x31: {  	[smem:$0x3FB8] =	sst s10  }
0x32: {  	s10 =	sld [smem:$0x3FB6];
	_ =	sdelay $0x3  }
0x33: {  	p0 =	seq.s32 s10, $0x1;
	s10 =	sld [smem:$0x3FB8];
	_ =	sdelay $0x3  }
0x34: {  	[smem:$0x3FB8] =	sst s10  }
0x35: {  	s10 =	sld [smem:$0x3FB7];
	_ =	sdelay $0x3  }
0x36: {  	p1 =	seq.s32 s10, $0x1;
	s10 =	sld [smem:$0x3FB8];
	_ =	sdelay $0x3  }
0x37: {  	[smem:$0x3FB8] =	sst s10  }
0x38: {  	s10 =	sld [smem:$0x3FB9]  }
0x39: {  	_ = 	snop;
	(pc) =	sbr.ind lr, $3  }
0x3a: {  	_ = 	snop  }
0x3b: {  	_ = 	snop  }
0x3c: {  	p2 =	seq.s32 s10, $0x1;
	s10 =	sld [smem:$0x3FB8]  }
0x3d: {  	_ =	shalt  }
0x3e: {  	_ =	shalt  }
0x3f: {  	_ =	shalt  }
0x40: {  	_ =	shalt  }
0x41: {  	_ =	shalt  }
0x42: {  	_ =	shalt  }
0x43: {  	_ =	shalt  }
0x44: {  	_ =	shalt  }
0x45: {  	_ =	shalt  }
0x46: {  	_ =	shalt  }
0x47: {  	_ =	shalt  }
0x48: {  	_ =	shalt  }
0x49: {  	_ =	shalt  }
0x4a: {  	_ =	shalt  }
0x4b: {  	_ =	shalt  }
0x4c: {  	_ =	shalt  }
0x4d: {  	_ =	shalt  }
0x4e: {  	_ =	shalt  }
0x4f: {  	_ =	shalt  }
0x50: {  	_ =	shalt  }
0x51: {  	_ =	shalt  }
0x52: {  	_ =	shalt  }
0x53: {  	_ =	shalt  }
0x54: {  	_ =	shalt  }
0x55: {  	_ =	shalt  }
0x56: {  	_ =	shalt  }
0x57: {  	_ =	shalt  }
0x58: {  	_ =	shalt  }
0x59: {  	_ =	shalt  }
0x5a: {  	_ =	shalt  }
0x5b: {  	_ =	shalt  }
0x5c: {  	_ =	shalt  }
0x5d: {  	_ =	shalt  }
0x5e: {  	_ =	shalt  }
0x5f: {  	_ =	shalt  }
0x60: {  	_ =	shalt  }
0x61: {  	_ =	shalt  }
0x62: {  	_ =	shalt  }
0x63: {  	_ =	shalt  }
0x64: {  	_ =	shalt  }
0x65: {  	_ =	shalt  }
0x66: {  	_ =	shalt  }
0x67: {  	_ =	shalt  }
0x68: {  	_ =	shalt  }
0x69: {  	_ =	shalt  }
0x6a: {  	_ =	shalt  }
0x6b: {  	_ =	shalt  }
0x6c: {  	_ =	shalt  }
0x6d: {  	_ =	shalt  }
0x6e: {  	_ =	shalt  }
0x6f: {  	_ =	shalt  }
0x70: {  	_ =	shalt  }
0x71: {  	_ =	shalt  }
0x72: {  	_ =	shalt  }
0x73: {  	_ =	shalt  }
0x74: {  	_ =	shalt  }
0x75: {  	_ =	shalt  }
0x76: {  	_ =	shalt  }
0x77: {  	_ =	shalt  }
0x78: {  	_ =	shalt  }
0x79: {  	_ =	shalt  }
0x7a: {  	_ =	shalt  }
0x7b: {  	_ =	shalt  }
0x7c: {  	_ =	shalt  }
0x7d: {  	_ =	shalt  }
0x7e: {  	_ =	shalt  }
0x7f: {  	_ =	shalt  }
0x80: {  	_ =	shalt  }
0x81: {  	_ =	shalt  }
0x82: {  	_ =	shalt  }
0x83: {  	_ =	shalt  }
0x84: {  	_ =	shalt  }
0x85: {  	_ =	shalt  }
0x86: {  	_ =	shalt  }
0x87: {  	_ =	shalt  }
.Lfunc_end0:
.L_simem_size_0:
called_computation_lowered:
.L_overlay_start_0:
0x88: {  	s2 =	sld [smem:$0x3FD9]  }
0x89: {  	s3 =	sld [smem:$0x3FFE];
	_ =	sdelay $0x1  }
0x8a: {  	s1 =	srdreg.scid  }
0x8b: {  	s0 =	sand.u32 $0x1, s1  }
0x8c: {  	s17 =	sshll.u32 s0, $0xA;
	s2 =	sadd.s32 s3, s2  }
0x8d: {  	s2 =	sadd.s32 s2, s17  }
0x8e: {  	[smem:$0x3FC4] =	sst s2  }
0x8f: {  	_ = 	snop  }
0x90: {  	s2 =	sld [smem:$0x3FC9]  }
0x91: {  	s18 =	sld [smem:$0x3FD0];
	(tm) =	ssettm $0x1  }
0x92: {  	s4 =	sld [smem:$0x3FFB];
	_ =	sdelay $0x3  }
0x93: {  	_ =	strace s4  }
0x94: {  	s4 =	sld [smem:$0x3FFC];
	_ =	sdelay $0x3  }
0x95: {  	_ =	strace s4  }
0x96: {  	s4 =	sld [smem:$0x3FFD];
	_ =	sdelay $0x3  }
0x97: {  	_ =	strace s4  }
0x98: {  	_ =	strace $0x8FFFFFFF  }
0x99: {  	s19 =	sld [smem:$0x3FDB];
	_ =	sdelay $0x1  }
0x9a: {  	s5 =	simm.s32 $_scs_section_size  }
0x9b: {  	s6 =	simm.s32 $_size__tile_overlayer_lowered;
	s7 =	simm.s32 $_tile_overlayer_lowered  }
0x9c: {  	s22 =	simm.s32 $0x1BFF;
	s21 =	sshll.u32 s7, $0x1;
	s4 =	sadd.s32 s5, s19  }
0x9d: {  	s8 =	simm.s32 $0x0;
	s20 =	sshll.u32 s6, $0x1;
	s6 =	sadd.s32 s21, s4  }
0x9e: {  	[timem:s8], [sflag:s22] =	dma.local [hbm:s6], s20  }
0x9f: {  	_ =	swait.ge [sflag:s22], s20  }
0xa0: {  	s5 =	ssub.s32 $0x0, s20;
	[sflag:s22] =	ssyncset.done $0x0  }
0xa1: {  	[sflag:s22] =	ssyncadd.s32 s5;
	_ =	sdelay $0x1  }
0xa2: {  	s23 =	simm.s32 $0x1B8B  }
0xa3: {  	_ =	swait.ge [sflag:s23], $0x1  }
0xa4: {  	[sflag:s23] =	ssyncset.done $0x0  }
0xa5: {  	s25 =	simm.s32 $0x1B8E;
	s24 =	sld [smem:$0x3FFE];
	[sflag:s23] =	ssyncadd.s32 $0xFFFFFFFF  }
0xa6: {  	s26 =	simm.s32 $execute0_lowered;
	[smem:$0x3FD2] =	sst s25  }
0xa7: {  	s6 =	sshll.u32 s26, $0x1;
	_ =	strace $0x80000046;
	[dreg:$0x1] =	wrdreg $0xFFFFFFFF  }
0xa8: {  	s28 =	simm.s32 $_size_execute0_lowered;
	s4 =	sadd.s32 s4, s6;
	[dreg:$0x0] =	wrdreg $0x0  }
0xa9: {  	s6 =	sshll.u32 s28, $0x1;
	[dreg:$0x2] =	wrdreg s4  }
0xaa: {  	[dreg:$0x3] =	wrdreg s6  }
0xab: {  	[dreg:$0x4] =	wrdreg $0xC0  }
0xac: {  	_ =	task [dreg:s8], $0x5FFFF  }
0xad: {  	[dreg:$0x1] =	wrdreg $0xFFFFFFFF  }
0xae: {  	[dreg:$0x0] =	wrdreg $0x60  }
0xaf: {  	[dreg:$0x2] =	wrdreg s2  }
0xb0: {  	[dreg:$0x3] =	wrdreg s24  }
0xb1: {  	[dreg:$0x4] =	wrdreg s18  }
0xb2: {  	[dreg:$0x5] =	wrdreg $0x9  }
0xb3: {  	_ =	task.clear_ibuf [dreg:s8], $0x6FFFF;
	_ =	strace $0x90000046  }
0xb4: {  	s29 =	simm.s32 $0x9;
	_ =	strace $0x80000048  }
0xb5: {  	_ =	swait.ge [sflag:s29], $0x1  }
0xb6: {  	[sflag:s29] =	ssyncadd.s32 $0xFFFFFFFF  }
0xb7: {  	_ =	strace $0x90000048  }
0xb8: {  	_ =	sfence  }
0xb9: {  	s30 =	sld [smem:$0x0];
	_ =	sdelay $0x2  }
0xba: {  	s31 =	sshll.u32 s1, $0xD;
	s1 =	sshrl.u32 s1, $0x2  }
0xbb: {  	s3 =	sand.u32 $0x4000, s31;
	s1 =	sadd.s32 s1, s30  }
0xbc: {  	s0 =	sor.u32 s3, s0;
	s1 =	sshll.u32 s1, $0x11  }
0xbd: {  	s0 =	sor.u32 s1, s0  }
0xbe: {  	s0 =	sadd.s32 $0x8F2B, s0  }
0xbf: {  	[sflag:s0] =	ssyncadd.remote.s32 $0x1  }
0xc0: {  	_ =	sfence.sel $0xFFFF  }
0xc1: {  	[dreg:$0x0] =	wrdreg $0xFFFFFFFF;
	(pc) =	sbr.abs _section_cstart, $3  }
0xc2: {  	[dreg:$0x1] =	wrdreg $0xFFFFFFFF  }
0xc3: {  	_ =	task.clear_ibuf [dreg:s8], $0x2FFFF;
	_ =	strace $0x9FFFFFFF  }
0xc4: {  	(tm) =	ssettm $0x7FFFFFFF  }
0xc5: {  	_ =	shalt  }
tec
execute0_lowered:
.L_overlay_start_1:
0x0: {  	(tag) =	ssettag $0x1  }
0x1: {  	s1 =	rddreg [dreg:$0x0]  }
0x2: {  	s5 =	rddreg [dreg:$0x1];
	s2 =	srdreg.scid  }
0x3: {  	s3 =	rddreg [dreg:$0x2];
	s0 =	stileid.u32;
	s8 =	simm.s32 $0xC080  }
0x4: {  	s23 =	simm.s32 $0x880;
	s9 =	simm.s32 $0x1;
	s24 =	simm.s32 $0x1080  }
0x5: {  	s10 =	simm.s32 $0x2;
	s25 =	simm.s32 $0x1880;
	s11 =	simm.s32 $0x3  }
0x6: {  	s26 =	simm.s32 $0x2080;
	s13 =	simm.s32 $0x3080;
	s14 =	simm.s32 $0x3880  }
0x7: {  	s15 =	simm.s32 $0x4080;
	s16 =	simm.s32 $0x4880;
	s17 =	simm.s32 $0x5080  }
0x8: {  	s18 =	simm.s32 $0x5880;
	s19 =	simm.s32 $0x6080;
	s28 =	simm.s32 $0xA080  }
0x9: {  	s4 =	sand.u32 $0x1, s2;
	[dreg:$0x4] =	wrdreg s3;
	s2 =	simm.s32 $0x0  }
0xa: {  	s29 =	simm.s32 $0xA880;
	s30 =	simm.s32 $0xB080;
	[smem:$0x7FF] =	sst s2  }
0xb: {  	s31 =	simm.s32 $0xB880;
	_ =	strace $0x80000047;
	[dreg:$0x8] =	wrdreg s23  }
0xc: {  	s20 =	sshll.u32 s0, $0x7;
	s6 =	sshll.u32 s4, $0x6;
	[dreg:$0x9] =	wrdreg s24  }
0xd: {  	s4 =	ssub.s32 $0x2, s4;
	s3 =	sor.u32 s6, s20;
	[dreg:$0xa] =	wrdreg s25  }
0xe: {  	s21 =	sshrl.u32 s4, $0x1;
	[dreg:$0xb] =	wrdreg s26;
	s20 =	simm.s32 $0x6880  }
0xf: {  	s23 =	simm.s32 $0x8080;
	s24 =	simm.s32 $0x8880;
	s25 =	simm.s32 $0x9080  }
0x10: {  	s26 =	simm.s32 $0x9880;
	s6 =	sshrl.u32 s3, $0x3;
	s3 =	sshll.u32 s3, $0x4  }
0x11: {  	s7 =	sadd.s32 s6, s5;
	s6 =	smul.u32 $0x300, s6;
	s3 =	sadd.s32 s3, s5  }
0x12: {  	s7 =	sadd.s32 $0x9800, s7;
	s22 =	sadd.s32 $0x1800, s3;
	s3 =	sadd.s32 $0x9A00, s5  }
0x13: {  	[dreg:$0x5] =	wrdreg s7;
	s1 =	sadd.s32 s1, s6;
	s6 =	ssub.s32 s4, s21  }
0x14: {  	v2 =	vlaneseq.u32;
	[dreg:$0x7] =	wrdreg s22;
	s4 =	sadd.s32 $0x9B00, s5;
	s5 =	sadd.s32 $0x9C00, s5  }
0x15: {  	vm0 =	vmmov $0xffff;
	v1 =	vshrl.u32 v2, $0x3;
	s7 =	simm.s32 $0x80;
	s21 =	simm.s32 $0x7080;
	s22 =	simm.s32 $0x7880  }
0x16: {  	v0 =	vand.u32 $0x7, v2;
	v2 =	vor.u32 $0x8, v2;
	v1 =	vmul.u32 $0x8, v1;
	[dreg:$0x6] =	wrdreg s1;
	s6 =	smax.u32 s6, $0x1;
	s1 =	simm.s32 $0x40  }
.LBB2_1:
0x17: {  	s0 =	rddreg [dreg:$0x5]  }
0x18: {  	[tilespmem:s2], [sflag:$0x1] =	stream.linear.gather [hbm4b:s0+s2], $0x40, $0x38;
	[tilespmem:$0xE080] =	vst v63  }
0x19: {  	s12 =	rddreg [dreg:$0x6]  }
0x1a: {  	[tilespmem:s7], [sflag:$0x2] =	stream.linear.gather [hbm4b:s12+s2], $0xC000, $0x38;
	[tilespmem:$0xE080] =	vst v63  }
0x1b: {  	s0 =	rddreg [dreg:$0x7]  }
0x1c: {  	[tilespmem:s8], [sflag:$0x3] =	stream.linear.gather [hbm4b:s0+s2], $0x2000, $0x38;
	[tilespmem:$0xE080] =	vst v63  }
0x1d: {  	_ =	swait.ge [sflag:s9], $0x40  }
0x1e: {  	[sflag:s9] =	ssyncset.done $0x0  }
0x1f: {  	[sflag:s9] =	ssyncadd.s32 $0xFFFFFFC0  }
0x20: {  	_ =	swait.ge [sflag:s10], $0xC000  }
0x21: {  	[sflag:s10] =	ssyncset.done $0x0  }
0x22: {  	[sflag:s10] =	ssyncadd.s32 $0xFFFF4000  }
0x23: {  	_ =	swait.ge [sflag:s11], $0x2000  }
0x24: {  	[sflag:s11] =	ssyncset.done $0x0  }
0x25: {  	[sflag:s11] =	ssyncadd.s32 $0xFFFFE000  }
0x26: {  	v3 =	vld [tilespmem:$0x0];
	_ =	sdelay $0x4  }
0x27: {  	v4 =	vshrl.u32 v3, $0x3  }
0x28: {  	v4 =	vmul.u32 $0x30, v4  }
0x29: {  	v3 =	vand.u32 $0x7, v3  }
0x2a: {  	v3 =	vor.u32 v3, v4  }
0x2b: {  	v4 =	vperm.xlane v3, v0;
	_ =	sdelay $0x1  }
0x2c: {  	v4 =	vadd.s32 v1, v4;
	_ =	sdelay $0x3  }
0x2d: {  	v3 =	vperm.xlane v3, v2  }
0x2e: {  	[hbm4b:s3+s2] =	stream.indirect_vreg.scatter [tilespmem:s7], [sflag:$0x1], $0x80, v4, vm0, $0xb8;
	[tilespmem:$0xE080] =	vst v63  }
0x2f: {  	s0 =	rddreg [dreg:$0x8];
	v3 =	vadd.s32 v1, v3  }
0x30: {  	[hbm4b:s4+s2] =	stream.indirect_vreg.scatter [tilespmem:s0], [sflag:$0x1], $0x80, v4, vm0, $0xb8;
	[tilespmem:$0xE080] =	vst v63  }
0x31: {  	s12 =	rddreg [dreg:$0x9]  }
0x32: {  	[hbm4b:s5+s2] =	stream.indirect_vreg.scatter [tilespmem:s12], [sflag:$0x1], $0x80, v4, vm0, $0xb8;
	[tilespmem:$0xE080] =	vst v63  }
0x33: {  	s0 =	rddreg [dreg:$0xa]  }
0x34: {  	[hbm4b:s3+s2] =	stream.indirect_vreg.scatter [tilespmem:s0], [sflag:$0x1], $0x80, v3, vm0, $0xb8;
	[tilespmem:$0xE080] =	vst v63  }
0x35: {  	s12 =	rddreg [dreg:$0xb]  }
0x36: {  	[hbm4b:s4+s2] =	stream.indirect_vreg.scatter [tilespmem:s12], [sflag:$0x1], $0x80, v3, vm0, $0xb8;
	[tilespmem:$0xE080] =	vst v63  }
0x37: {  	s12 =	simm.s32 $0x2880  }
0x38: {  	[hbm4b:s5+s2] =	stream.indirect_vreg.scatter [tilespmem:s12], [sflag:$0x1], $0x80, v3, vm0, $0xb8;
	[tilespmem:$0xE080] =	vst v63  }
0x39: {  	v3 =	vld [tilespmem:$0x10];
	_ =	sdelay $0x4  }
0x3a: {  	v61 =	vshrl.u32 v3, $0x3  }
0x3b: {  	v4 =	vmul.u32 $0x30, v61  }
0x3c: {  	v3 =	vand.u32 $0x7, v3  }
0x3d: {  	v3 =	vor.u32 v3, v4  }
0x3e: {  	v4 =	vperm.xlane v3, v0;
	_ =	sdelay $0x1  }
0x3f: {  	v4 =	vadd.s32 v1, v4;
	_ =	sdelay $0x3  }
0x40: {  	v3 =	vperm.xlane v3, v2  }
0x41: {  	[hbm4b:s3+s2] =	stream.indirect_vreg.scatter [tilespmem:s13], [sflag:$0x1], $0x80, v4, vm0, $0xb8;
	[tilespmem:$0xE080] =	vst v63  }
0x42: {  	v3 =	vadd.s32 v1, v3  }
0x43: {  	[hbm4b:s4+s2] =	stream.indirect_vreg.scatter [tilespmem:s14], [sflag:$0x1], $0x80, v4, vm0, $0xb8;
	[tilespmem:$0xE080] =	vst v63  }
0x44: {  	_ = 	snop  }
0x45: {  	[hbm4b:s5+s2] =	stream.indirect_vreg.scatter [tilespmem:s15], [sflag:$0x1], $0x80, v4, vm0, $0xb8;
	[tilespmem:$0xE080] =	vst v63  }
0x46: {  	_ = 	snop  }
0x47: {  	[hbm4b:s3+s2] =	stream.indirect_vreg.scatter [tilespmem:s16], [sflag:$0x1], $0x80, v3, vm0, $0xb8;
	[tilespmem:$0xE080] =	vst v63  }
0x48: {  	_ = 	snop  }
0x49: {  	[hbm4b:s4+s2] =	stream.indirect_vreg.scatter [tilespmem:s17], [sflag:$0x1], $0x80, v3, vm0, $0xb8;
	[tilespmem:$0xE080] =	vst v63  }
0x4a: {  	_ = 	snop  }
0x4b: {  	[hbm4b:s5+s2] =	stream.indirect_vreg.scatter [tilespmem:s18], [sflag:$0x1], $0x80, v3, vm0, $0xb8;
	[tilespmem:$0xE080] =	vst v63  }
0x4c: {  	v3 =	vld [tilespmem:$0x20];
	_ =	sdelay $0x4  }
0x4d: {  	v62 =	vshrl.u32 v3, $0x3  }
0x4e: {  	v4 =	vmul.u32 $0x30, v62  }
0x4f: {  	v3 =	vand.u32 $0x7, v3  }
0x50: {  	v3 =	vor.u32 v3, v4  }
0x51: {  	v4 =	vperm.xlane v3, v0;
	_ =	sdelay $0x1  }
0x52: {  	v4 =	vadd.s32 v1, v4;
	_ =	sdelay $0x3  }
0x53: {  	v3 =	vperm.xlane v3, v2  }
0x54: {  	[hbm4b:s3+s2] =	stream.indirect_vreg.scatter [tilespmem:s19], [sflag:$0x1], $0x80, v4, vm0, $0xb8;
	[tilespmem:$0xE080] =	vst v63  }
0x55: {  	v3 =	vadd.s32 v1, v3  }
0x56: {  	[hbm4b:s4+s2] =	stream.indirect_vreg.scatter [tilespmem:s20], [sflag:$0x1], $0x80, v4, vm0, $0xb8;
	[tilespmem:$0xE080] =	vst v63  }
0x57: {  	_ = 	snop  }
0x58: {  	[hbm4b:s5+s2] =	stream.indirect_vreg.scatter [tilespmem:s21], [sflag:$0x1], $0x80, v4, vm0, $0xb8;
	[tilespmem:$0xE080] =	vst v63  }
0x59: {  	_ = 	snop  }
0x5a: {  	[hbm4b:s3+s2] =	stream.indirect_vreg.scatter [tilespmem:s22], [sflag:$0x1], $0x80, v3, vm0, $0xb8;
	[tilespmem:$0xE080] =	vst v63  }
0x5b: {  	_ = 	snop  }
0x5c: {  	[hbm4b:s4+s2] =	stream.indirect_vreg.scatter [tilespmem:s23], [sflag:$0x1], $0x80, v3, vm0, $0xb8;
	[tilespmem:$0xE080] =	vst v63  }
0x5d: {  	_ = 	snop  }
0x5e: {  	[hbm4b:s5+s2] =	stream.indirect_vreg.scatter [tilespmem:s24], [sflag:$0x1], $0x80, v3, vm0, $0xb8;
	[tilespmem:$0xE080] =	vst v63  }
0x5f: {  	v3 =	vld [tilespmem:$0x30];
	_ =	sdelay $0x4  }
0x60: {  	v63 =	vshrl.u32 v3, $0x3  }
0x61: {  	v4 =	vmul.u32 $0x30, v63  }
0x62: {  	v3 =	vand.u32 $0x7, v3  }
0x63: {  	v3 =	vor.u32 v3, v4  }
0x64: {  	v4 =	vperm.xlane v3, v0;
	_ =	sdelay $0x1  }
0x65: {  	v4 =	vadd.s32 v1, v4;
	_ =	sdelay $0x3  }
0x66: {  	v3 =	vperm.xlane v3, v2  }
0x67: {  	[hbm4b:s3+s2] =	stream.indirect_vreg.scatter [tilespmem:s25], [sflag:$0x1], $0x80, v4, vm0, $0xb8;
	[tilespmem:$0xE080] =	vst v63  }
0x68: {  	v3 =	vadd.s32 v1, v3  }
0x69: {  	[hbm4b:s4+s2] =	stream.indirect_vreg.scatter [tilespmem:s26], [sflag:$0x1], $0x80, v4, vm0, $0xb8;
	[tilespmem:$0xE080] =	vst v63  }
0x6a: {  	_ = 	snop  }
0x6b: {  	[hbm4b:s5+s2] =	stream.indirect_vreg.scatter [tilespmem:s28], [sflag:$0x1], $0x80, v4, vm0, $0xb8;
	[tilespmem:$0xE080] =	vst v63  }
0x6c: {  	_ = 	snop  }
0x6d: {  	[hbm4b:s3+s2] =	stream.indirect_vreg.scatter [tilespmem:s29], [sflag:$0x1], $0x80, v3, vm0, $0xb8;
	[tilespmem:$0xE080] =	vst v63  }
0x6e: {  	_ = 	snop  }
0x6f: {  	[hbm4b:s4+s2] =	stream.indirect_vreg.scatter [tilespmem:s30], [sflag:$0x1], $0x80, v3, vm0, $0xb8;
	[tilespmem:$0xE080] =	vst v63  }
0x70: {  	_ = 	snop  }
0x71: {  	[hbm4b:s5+s2] =	stream.indirect_vreg.scatter [tilespmem:s31], [sflag:$0x1], $0x80, v3, vm0, $0xb8;
	[tilespmem:$0xE080] =	vst v63  }
0x72: {  	s12 =	rddreg [dreg:$0x4]  }
0x73: {  	[hbm4b:s12+s1] =	stream.indirect.scatter [tilespmem:s8], [sflag:$0x2], $0x80, s2, s1, $0xb8;
	[tilespmem:$0xE080] =	vst v63  }
0x74: {  	p0 =	sne.s32 s6, $0x1;
	_ =	swait.ge [sflag:s9], $0xC000  }
.Ltmp0:
0x75: {  	[sflag:s9] =	ssyncset.done $0x0;
	(pc) =	sbr.rel @p0 .LBB2_1-.Ltmp0, $4  }
0x76: {  	[sflag:s9] =	ssyncadd.s32 $0xFFFF4000  }
0x77: {  	_ =	swait.ge [sflag:s10], $0x2000  }
0x78: {  	[sflag:s10] =	ssyncset.done $0x0  }
0x79: {  	s6 =	sadd.s32 $0xFFFFFFFF, s6;
	[sflag:s10] =	ssyncadd.s32 $0xFFFFE000  }
0x7a: {  	_ =	sfence.sel $0x180000  }
0x7b: {  	[bflag:$0x0] =	sbarrier.arrive $0xFFFF  }
0x7c: {  	_ =	strace $0x90000047  }
0x7d: {  	s0 =	stileid.u32;
	[bflag:$0x2] =	sbarrier.arrive $0xFFFF  }
0x7e: {  	p0 =	sne.s32 s0, $0x0;
	s0 =	rddreg [dreg:$0x3]  }
0x7f: {  	s0 =	sadd.s32 @!p0 $0x100000, s0  }
0x80: {  	[sflag:s0] =	ssyncadd.tile.s32 @!p0 $0x1;
	_ =	shalt  }
.Lfunc_end2:
_tile_overlayer_lowered:
.L_overlay_start_2:
0x81: {  	(tag) =	ssettag $0x2  }
0x82: {  	s0 =	rddreg [dreg:$0x0];
	s2 =	stileid.u32  }
0x83: {  	s1 =	rddreg [dreg:$0x1];
	p0 =	sne.s32 s2, $0x0  }
0x84: {  	s3 =	rddreg [dreg:$0x2];
	[bflag:$0x3] =	sbarrier.arrive $0xFFFF;
	s2 =	simm.s32 @!p0 $0x1C04  }
0x85: {  	[timem:s3], [sflag:s2] =	dma.local @!p0 [hbm:s0], s1  }
0x86: {  	s0 =	simm.s32 @!p0 $0x4  }
0x87: {  	_ =	swait.ge @!p0 [sflag:s0], s1  }
0x88: {  	s1 =	ssub.s32 @!p0 $0x0, s1;
	[sflag:s0] =	ssyncset.done @!p0 $0x0  }
0x89: {  	[sflag:s0] =	ssyncadd.s32 @!p0 s1  }
0x8a: {  	[bflag:$0x3] =	sbarrier.arrive $0xFFFF  }
0x8b: {  	_ =	shalt  }

// kernel: kernel.9.cloned.1.call-start
scs
__scs_entry_jumppad:
0x0: {  	(pc) =	sbr.rel $0x88, $3  }
0x1: {  	(tag) =	ssettag $0x0;
	lr =	simm.s32 $0x1  }
0x2: {  	[smem:$0x3F9D] =	sst lr;
	_ =	strace $0xD0000000  }
0x3: {  	_ = 	snop  }
0x4: {  	_ = 	snop  }
0x5: {  	_ = 	snop  }
0x6: {  	_ = 	snop  }
0x7: {  	_ = 	snop  }
__scs_overlays_trampoline_lowered:
0x8: {  	[smem:$0x3FAC] =	sst s0  }
0x9: {  	[smem:$0x3FAD] =	sst s1  }
0xa: {  	[smem:$0x3FAE] =	sst s2  }
0xb: {  	[smem:$0x3FAF] =	sst s3  }
0xc: {  	[smem:$0x3FB0] =	sst s4  }
0xd: {  	[smem:$0x3FB1] =	sst s5  }
0xe: {  	[smem:$0x3FB2] =	sst s6  }
0xf: {  	[smem:$0x3FB3] =	sst s7  }
0x10: {  	[smem:$0x3FB4] =	sst s8  }
0x11: {  	[smem:$0x3FB5] =	sst s9;
	s0 =	simm.s32 @!p0 $0x0  }
0x12: {  	s1 =	sld [smem:$0x3F9B];
	s0 =	simm.s32 @p0 $0x1  }
0x13: {  	[smem:$0x3FB6] =	sst s0;
	s0 =	simm.s32 @!p1 $0x0  }
0x14: {  	s2 =	sld [smem:$0x3F9A];
	s0 =	simm.s32 @p1 $0x1  }
0x15: {  	[smem:$0x3FB7] =	sst s0;
	s0 =	simm.s32 @!p2 $0x0  }
0x16: {  	s3 =	sld [smem:$0x3FDB];
	s0 =	simm.s32 @p2 $0x1  }
0x17: {  	s4 =	simm.s32 $0x1BF5;
	[smem:$0x3FB9] =	sst s0  }
0x18: {  	s0 =	sld [smem:$0x3F9C];
	_ =	swait.ge [sflag:s4], $0x0  }
0x19: {  	s7 =	sld [smem:$0x3F9D]  }
0x1a: {  	s8 =	sadd.s32 $0xFFFFE003, lr  }
0x1b: {  	s9 =	sadd.s32 $0xFFFFFEF7, lr;
	s5 =	simm.s32 $0xFFFFFFFF;
	p2 =	slt.u32 s8, $0xFFFFF086  }
0x1c: {  	p1 =	slt.u32 s9, $0xF7A;
	s5 =	simm.s32 @!p2 $0x0  }
0x1d: {  	s5 =	simm.s32 @p1 $0x1;
	p0 =	seq.s32 s7, s2  }
0x1e: {  	s7 =	smul.u32 @!p0 $0xF7A, s2;
	p2 =	seq.s32 @!p0 s5, $0x0  }
0x1f: {  	s9 =	smul.u32 $0xF7A, s1;
	s8 =	simm.s32 @!p0 $0x1BF5;
	p2 =	por !p2, p0  }
0x20: {  	[sflag:s8] =	ssyncset.s32 @!p0 $0xFFFFF086;
	s6 =	sadd.s32 @!p0 s3, s7;
	s7 =	simm.s32 @!p0 $0x108  }
0x21: {  	s3 =	sadd.s32 s3, s9;
	s6 =	sadd.s32 @!p0 $0x88, s6;
	s7 =	simm.s32 @p2 $0x1082  }
0x22: {  	[simem:s7], [sflag:s8] =	dma.local @!p0 [hbm:s6], $0xF7A  }
0x23: {  	s9 =	sor.u32 $0xD0000000, s2;
	s6 =	simm.s32 $0x108;
	_ =	swait.ge @!p0 [sflag:s8], $0x0  }
0x24: {  	s3 =	sadd.s32 $0x88, s3;
	s6 =	simm.s32 @!p1 $0x1082;
	[sflag:s4] =	ssyncset.s32 $0xFFFFF086  }
0x25: {  	[simem:s6], [sflag:s4] =	dma.local [hbm:s3], $0xF7A  }
0x26: {  	[smem:$0x3F9D] =	sst s1;
	(tag) =	ssettag s2;
	_ =	strace s9  }
0x27: {  	s1 =	sld [smem:$0x3FAD]  }
0x28: {  	s2 =	sld [smem:$0x3FAE]  }
0x29: {  	s4 =	sld [smem:$0x3FB0]  }
0x2a: {  	p0 =	seq.s32 s5, $0x0;
	s5 =	sld [smem:$0x3FB1]  }
0x2b: {  	s6 =	sld [smem:$0x3FB2]  }
0x2c: {  	s7 =	sld [smem:$0x3FB3]  }
0x2d: {  	s3 =	simm.s32 $0x108;
	s8 =	sld [smem:$0x3FB4]  }
0x2e: {  	s3 =	simm.s32 @!p0 $0x1082;
	s9 =	sld [smem:$0x3FB5]  }
0x2f: {  	lr =	sadd.s32 s0, s3;
	s0 =	sld [smem:$0x3FAC]  }
0x30: {  	s3 =	sld [smem:$0x3FAF]  }
0x31: {  	[smem:$0x3FB8] =	sst s10  }
0x32: {  	s10 =	sld [smem:$0x3FB6];
	_ =	sdelay $0x3  }
0x33: {  	p0 =	seq.s32 s10, $0x1;
	s10 =	sld [smem:$0x3FB8];
	_ =	sdelay $0x3  }
0x34: {  	[smem:$0x3FB8] =	sst s10  }
0x35: {  	s10 =	sld [smem:$0x3FB7];
	_ =	sdelay $0x3  }
0x36: {  	p1 =	seq.s32 s10, $0x1;
	s10 =	sld [smem:$0x3FB8];
	_ =	sdelay $0x3  }
0x37: {  	[smem:$0x3FB8] =	sst s10  }
0x38: {  	s10 =	sld [smem:$0x3FB9]  }
0x39: {  	_ = 	snop;
	(pc) =	sbr.ind lr, $3  }
0x3a: {  	_ = 	snop  }
0x3b: {  	_ = 	snop  }
0x3c: {  	p2 =	seq.s32 s10, $0x1;
	s10 =	sld [smem:$0x3FB8]  }
0x3d: {  	_ =	shalt  }
0x3e: {  	_ =	shalt  }
0x3f: {  	_ =	shalt  }
0x40: {  	_ =	shalt  }
0x41: {  	_ =	shalt  }
0x42: {  	_ =	shalt  }
0x43: {  	_ =	shalt  }
0x44: {  	_ =	shalt  }
0x45: {  	_ =	shalt  }
0x46: {  	_ =	shalt  }
0x47: {  	_ =	shalt  }
0x48: {  	_ =	shalt  }
0x49: {  	_ =	shalt  }
0x4a: {  	_ =	shalt  }
0x4b: {  	_ =	shalt  }
0x4c: {  	_ =	shalt  }
0x4d: {  	_ =	shalt  }
0x4e: {  	_ =	shalt  }
0x4f: {  	_ =	shalt  }
0x50: {  	_ =	shalt  }
0x51: {  	_ =	shalt  }
0x52: {  	_ =	shalt  }
0x53: {  	_ =	shalt  }
0x54: {  	_ =	shalt  }
0x55: {  	_ =	shalt  }
0x56: {  	_ =	shalt  }
0x57: {  	_ =	shalt  }
0x58: {  	_ =	shalt  }
0x59: {  	_ =	shalt  }
0x5a: {  	_ =	shalt  }
0x5b: {  	_ =	shalt  }
0x5c: {  	_ =	shalt  }
0x5d: {  	_ =	shalt  }
0x5e: {  	_ =	shalt  }
0x5f: {  	_ =	shalt  }
0x60: {  	_ =	shalt  }
0x61: {  	_ =	shalt  }
0x62: {  	_ =	shalt  }
0x63: {  	_ =	shalt  }
0x64: {  	_ =	shalt  }
0x65: {  	_ =	shalt  }
0x66: {  	_ =	shalt  }
0x67: {  	_ =	shalt  }
0x68: {  	_ =	shalt  }
0x69: {  	_ =	shalt  }
0x6a: {  	_ =	shalt  }
0x6b: {  	_ =	shalt  }
0x6c: {  	_ =	shalt  }
0x6d: {  	_ =	shalt  }
0x6e: {  	_ =	shalt  }
0x6f: {  	_ =	shalt  }
0x70: {  	_ =	shalt  }
0x71: {  	_ =	shalt  }
0x72: {  	_ =	shalt  }
0x73: {  	_ =	shalt  }
0x74: {  	_ =	shalt  }
0x75: {  	_ =	shalt  }
0x76: {  	_ =	shalt  }
0x77: {  	_ =	shalt  }
0x78: {  	_ =	shalt  }
0x79: {  	_ =	shalt  }
0x7a: {  	_ =	shalt  }
0x7b: {  	_ =	shalt  }
0x7c: {  	_ =	shalt  }
0x7d: {  	_ =	shalt  }
0x7e: {  	_ =	shalt  }
0x7f: {  	_ =	shalt  }
0x80: {  	_ =	shalt  }
0x81: {  	_ =	shalt  }
0x82: {  	_ =	shalt  }
0x83: {  	_ =	shalt  }
0x84: {  	_ =	shalt  }
0x85: {  	_ =	shalt  }
0x86: {  	_ =	shalt  }
0x87: {  	_ =	shalt  }
.Lfunc_end0:
.L_simem_size_0:
called_computation.1_lowered:
.L_overlay_start_0:
0x88: {  	s2 =	sld [smem:$0x3FD9]  }
0x89: {  	s3 =	sld [smem:$0x3FFE];
	_ =	sdelay $0x1  }
0x8a: {  	s1 =	srdreg.scid  }
0x8b: {  	s0 =	sand.u32 $0x1, s1  }
0x8c: {  	s17 =	sshll.u32 s0, $0xA;
	s2 =	sadd.s32 s3, s2  }
0x8d: {  	s2 =	sadd.s32 s2, s17  }
0x8e: {  	[smem:$0x3FC4] =	sst s2  }
0x8f: {  	_ = 	snop  }
0x90: {  	s2 =	sld [smem:$0x3FD0];
	(tm) =	ssettm $0x1  }
0x91: {  	s18 =	sld [smem:$0x3FFB];
	_ =	sdelay $0x3  }
0x92: {  	_ =	strace s18  }
0x93: {  	s3 =	sld [smem:$0x3FFC];
	_ =	sdelay $0x3  }
0x94: {  	_ =	strace s3  }
0x95: {  	s3 =	sld [smem:$0x3FFD];
	_ =	sdelay $0x3  }
0x96: {  	_ =	strace s3  }
0x97: {  	_ =	strace $0x8FFFFFFF  }
0x98: {  	s19 =	sld [smem:$0x3FDB];
	_ =	sdelay $0x1  }
0x99: {  	s4 =	simm.s32 $_scs_section_size  }
0x9a: {  	s5 =	simm.s32 $_size__tile_overlayer_lowered;
	s6 =	simm.s32 $_tile_overlayer_lowered  }
0x9b: {  	s22 =	simm.s32 $0x1BFF;
	s21 =	sshll.u32 s6, $0x1;
	s3 =	sadd.s32 s4, s19  }
0x9c: {  	s7 =	simm.s32 $0x0;
	s20 =	sshll.u32 s5, $0x1;
	s5 =	sadd.s32 s21, s3  }
0x9d: {  	[timem:s7], [sflag:s22] =	dma.local [hbm:s5], s20  }
0x9e: {  	_ =	swait.ge [sflag:s22], s20  }
0x9f: {  	s4 =	ssub.s32 $0x0, s20;
	[sflag:s22] =	ssyncset.done $0x0  }
0xa0: {  	[sflag:s22] =	ssyncadd.s32 s4;
	_ =	sdelay $0x1  }
0xa1: {  	s23 =	simm.s32 $0x1B8B  }
0xa2: {  	_ =	swait.ge [sflag:s23], $0x1  }
0xa3: {  	[sflag:s23] =	ssyncset.done $0x0  }
0xa4: {  	s25 =	simm.s32 $0x1B8E;
	s24 =	sld [smem:$0x3FFE];
	[sflag:s23] =	ssyncadd.s32 $0xFFFFFFFF  }
0xa5: {  	s26 =	simm.s32 $execute0_lowered;
	[smem:$0x3FD2] =	sst s25  }
0xa6: {  	s5 =	sshll.u32 s26, $0x1;
	_ =	strace $0x80000049;
	[dreg:$0x1] =	wrdreg $0xFFFFFFFF  }
0xa7: {  	s28 =	simm.s32 $_size_execute0_lowered;
	s3 =	sadd.s32 s3, s5;
	[dreg:$0x0] =	wrdreg $0x0  }
0xa8: {  	s5 =	sshll.u32 s28, $0x1;
	[dreg:$0x2] =	wrdreg s3  }
0xa9: {  	[dreg:$0x3] =	wrdreg s5  }
0xaa: {  	[dreg:$0x4] =	wrdreg $0xC0  }
0xab: {  	_ =	task [dreg:s7], $0x5FFFF  }
0xac: {  	[dreg:$0x1] =	wrdreg $0xFFFFFFFF  }
0xad: {  	[dreg:$0x0] =	wrdreg $0x60  }
0xae: {  	[dreg:$0x2] =	wrdreg s24  }
0xaf: {  	[dreg:$0x3] =	wrdreg s2  }
0xb0: {  	[dreg:$0x4] =	wrdreg $0x9  }
0xb1: {  	_ =	task.clear_ibuf [dreg:s7], $0x5FFFF;
	_ =	strace $0x90000049  }
0xb2: {  	s29 =	simm.s32 $0x9;
	_ =	strace $0x8000004B  }
0xb3: {  	_ =	swait.ge [sflag:s29], $0x1  }
0xb4: {  	[sflag:s29] =	ssyncadd.s32 $0xFFFFFFFF  }
0xb5: {  	_ =	strace $0x9000004B  }
0xb6: {  	_ =	sfence  }
0xb7: {  	s30 =	sld [smem:$0x0];
	_ =	sdelay $0x2  }
0xb8: {  	s31 =	sshll.u32 s1, $0xD;
	s1 =	sshrl.u32 s1, $0x2  }
0xb9: {  	s3 =	sand.u32 $0x4000, s31;
	s1 =	sadd.s32 s1, s30  }
0xba: {  	s0 =	sor.u32 s3, s0;
	s1 =	sshll.u32 s1, $0x11  }
0xbb: {  	s0 =	sor.u32 s1, s0  }
0xbc: {  	s0 =	sadd.s32 $0x8F2B, s0  }
0xbd: {  	[sflag:s0] =	ssyncadd.remote.s32 $0x1  }
0xbe: {  	_ =	sfence.sel $0xFFFF  }
0xbf: {  	[dreg:$0x0] =	wrdreg $0xFFFFFFFF;
	(pc) =	sbr.abs _section_cstart, $3  }
0xc0: {  	[dreg:$0x1] =	wrdreg $0xFFFFFFFF  }
0xc1: {  	_ =	task.clear_ibuf [dreg:s7], $0x2FFFF;
	_ =	strace $0x9FFFFFFF  }
0xc2: {  	(tm) =	ssettm $0x7FFFFFFF  }
0xc3: {  	_ =	shalt  }
tec
execute0_lowered:
.L_overlay_start_1:
0x0: {  	(tag) =	ssettag $0x1  }
0x1: {  	s0 =	rddreg [dreg:$0x0]  }
0x2: {  	s5 =	rddreg [dreg:$0x1];
	s3 =	srdreg.scid  }
0x3: {  	s2 =	simm.s32 $0x0;
	s1 =	stileid.u32;
	s26 =	simm.s32 $0x880  }
0x4: {  	s10 =	simm.s32 $0x1880;
	s11 =	simm.s32 $0x2080;
	s12 =	simm.s32 $0x2880  }
0x5: {  	s13 =	simm.s32 $0x3080;
	s14 =	simm.s32 $0x3880;
	s15 =	simm.s32 $0x4080  }
0x6: {  	s16 =	simm.s32 $0x4880;
	s17 =	simm.s32 $0x5080;
	s18 =	simm.s32 $0x5880  }
0x7: {  	s19 =	simm.s32 $0x6080;
	s20 =	simm.s32 $0x6880;
	s21 =	simm.s32 $0x7080  }
0x8: {  	s22 =	simm.s32 $0x7880;
	s28 =	simm.s32 $0xA080;
	s29 =	simm.s32 $0xA880  }
0x9: {  	s30 =	simm.s32 $0xB080;
	s31 =	simm.s32 $0xB880;
	s3 =	sand.u32 $0x1, s3  }
0xa: {  	[smem:$0x7FF] =	sst s2;
	s4 =	sshll.u32 s1, $0x4;
	s6 =	sshll.u32 s3, $0x3  }
0xb: {  	_ =	strace $0x8000004A;
	s23 =	ssub.s32 $0x2, s3;
	s3 =	sadd.s32 $0x9A00, s0  }
0xc: {  	[dreg:$0x5] =	wrdreg s26;
	s26 =	simm.s32 $0x9880;
	s4 =	sor.u32 s6, s4  }
0xd: {  	s8 =	sshrl.u32 s23, $0x1;
	s7 =	sadd.s32 s4, s0;
	s9 =	smul.u32 $0x300, s4  }
0xe: {  	s6 =	ssub.s32 s23, s8;
	s4 =	sadd.s32 $0x9B00, s0;
	s8 =	simm.s32 $0x80  }
0xf: {  	s23 =	simm.s32 $0x8080;
	s24 =	sadd.s32 $0x9800, s7;
	s6 =	smax.u32 s6, $0x1  }
0x10: {  	v2 =	vlaneseq.u32;
	s7 =	simm.s32 $0x2;
	[dreg:$0x3] =	wrdreg s24;
	s25 =	sadd.s32 s5, s9  }
0x11: {  	vm0 =	vmmov $0xffff;
	v1 =	vshrl.u32 v2, $0x3;
	s5 =	sadd.s32 $0x9C00, s0;
	s9 =	simm.s32 $0x1080;
	s24 =	simm.s32 $0x8880  }
0x12: {  	v0 =	vand.u32 $0x7, v2;
	v2 =	vor.u32 $0x8, v2;
	v1 =	vmul.u32 $0x8, v1;
	s0 =	simm.s32 $0x1;
	[dreg:$0x4] =	wrdreg s25;
	s25 =	simm.s32 $0x9080  }
.LBB2_1:
0x13: {  	s1 =	rddreg [dreg:$0x3]  }
0x14: {  	[tilespmem:s2], [sflag:$0x2] =	stream.linear.gather [hbm4b:s1+s2], $0x40, $0x38;
	[tilespmem:$0xC080] =	vst v63  }
0x15: {  	_ =	swait.ge [sflag:s7], $0x40  }
0x16: {  	[sflag:s7] =	ssyncset.done $0x0  }
0x17: {  	[sflag:s7] =	ssyncadd.s32 $0xFFFFFFC0  }
0x18: {  	v3 =	vld [tilespmem:$0x0];
	_ =	sdelay $0x4  }
0x19: {  	v4 =	vshrl.u32 v3, $0x3  }
0x1a: {  	v4 =	vmul.u32 $0x30, v4  }
0x1b: {  	v3 =	vand.u32 $0x7, v3  }
0x1c: {  	v3 =	vor.u32 v3, v4  }
0x1d: {  	v4 =	vperm.xlane v3, v0;
	_ =	sdelay $0x1  }
0x1e: {  	v4 =	vadd.s32 v1, v4;
	_ =	sdelay $0x3  }
0x1f: {  	v3 =	vperm.xlane v3, v2  }
0x20: {  	[tilespmem:s8], [sflag:$0x1] =	stream.indirect_vreg.gather [hbm4b:s3+s2], $0x80, v4, vm0, $0xb8;
	[tilespmem:$0xC080] =	vst v63  }
0x21: {  	s1 =	rddreg [dreg:$0x5];
	v3 =	vadd.s32 v1, v3  }
0x22: {  	[tilespmem:s1], [sflag:$0x1] =	stream.indirect_vreg.gather [hbm4b:s4+s2], $0x80, v4, vm0, $0xb8;
	[tilespmem:$0xC080] =	vst v63  }
0x23: {  	_ = 	snop  }
0x24: {  	[tilespmem:s9], [sflag:$0x1] =	stream.indirect_vreg.gather [hbm4b:s5+s2], $0x80, v4, vm0, $0xb8;
	[tilespmem:$0xC080] =	vst v63  }
0x25: {  	_ = 	snop  }
0x26: {  	[tilespmem:s10], [sflag:$0x1] =	stream.indirect_vreg.gather [hbm4b:s3+s2], $0x80, v3, vm0, $0xb8;
	[tilespmem:$0xC080] =	vst v63  }
0x27: {  	_ = 	snop  }
0x28: {  	[tilespmem:s11], [sflag:$0x1] =	stream.indirect_vreg.gather [hbm4b:s4+s2], $0x80, v3, vm0, $0xb8;
	[tilespmem:$0xC080] =	vst v63  }
0x29: {  	_ = 	snop  }
0x2a: {  	[tilespmem:s12], [sflag:$0x1] =	stream.indirect_vreg.gather [hbm4b:s5+s2], $0x80, v3, vm0, $0xb8;
	[tilespmem:$0xC080] =	vst v63  }
0x2b: {  	v3 =	vld [tilespmem:$0x10];
	_ =	sdelay $0x4  }
0x2c: {  	v61 =	vshrl.u32 v3, $0x3  }
0x2d: {  	v4 =	vmul.u32 $0x30, v61  }
0x2e: {  	v3 =	vand.u32 $0x7, v3  }
0x2f: {  	v3 =	vor.u32 v3, v4  }
0x30: {  	v4 =	vperm.xlane v3, v0;
	_ =	sdelay $0x1  }
0x31: {  	v4 =	vadd.s32 v1, v4;
	_ =	sdelay $0x3  }
0x32: {  	v3 =	vperm.xlane v3, v2  }
0x33: {  	[tilespmem:s13], [sflag:$0x1] =	stream.indirect_vreg.gather [hbm4b:s3+s2], $0x80, v4, vm0, $0xb8;
	[tilespmem:$0xC080] =	vst v63  }
0x34: {  	v3 =	vadd.s32 v1, v3  }
0x35: {  	[tilespmem:s14], [sflag:$0x1] =	stream.indirect_vreg.gather [hbm4b:s4+s2], $0x80, v4, vm0, $0xb8;
	[tilespmem:$0xC080] =	vst v63  }
0x36: {  	_ = 	snop  }
0x37: {  	[tilespmem:s15], [sflag:$0x1] =	stream.indirect_vreg.gather [hbm4b:s5+s2], $0x80, v4, vm0, $0xb8;
	[tilespmem:$0xC080] =	vst v63  }
0x38: {  	_ = 	snop  }
0x39: {  	[tilespmem:s16], [sflag:$0x1] =	stream.indirect_vreg.gather [hbm4b:s3+s2], $0x80, v3, vm0, $0xb8;
	[tilespmem:$0xC080] =	vst v63  }
0x3a: {  	_ = 	snop  }
0x3b: {  	[tilespmem:s17], [sflag:$0x1] =	stream.indirect_vreg.gather [hbm4b:s4+s2], $0x80, v3, vm0, $0xb8;
	[tilespmem:$0xC080] =	vst v63  }
0x3c: {  	_ = 	snop  }
0x3d: {  	[tilespmem:s18], [sflag:$0x1] =	stream.indirect_vreg.gather [hbm4b:s5+s2], $0x80, v3, vm0, $0xb8;
	[tilespmem:$0xC080] =	vst v63  }
0x3e: {  	v3 =	vld [tilespmem:$0x20];
	_ =	sdelay $0x4  }
0x3f: {  	v62 =	vshrl.u32 v3, $0x3  }
0x40: {  	v4 =	vmul.u32 $0x30, v62  }
0x41: {  	v3 =	vand.u32 $0x7, v3  }
0x42: {  	v3 =	vor.u32 v3, v4  }
0x43: {  	v4 =	vperm.xlane v3, v0;
	_ =	sdelay $0x1  }
0x44: {  	v4 =	vadd.s32 v1, v4;
	_ =	sdelay $0x3  }
0x45: {  	v3 =	vperm.xlane v3, v2  }
0x46: {  	[tilespmem:s19], [sflag:$0x1] =	stream.indirect_vreg.gather [hbm4b:s3+s2], $0x80, v4, vm0, $0xb8;
	[tilespmem:$0xC080] =	vst v63  }
0x47: {  	v3 =	vadd.s32 v1, v3  }
0x48: {  	[tilespmem:s20], [sflag:$0x1] =	stream.indirect_vreg.gather [hbm4b:s4+s2], $0x80, v4, vm0, $0xb8;
	[tilespmem:$0xC080] =	vst v63  }
0x49: {  	_ = 	snop  }
0x4a: {  	[tilespmem:s21], [sflag:$0x1] =	stream.indirect_vreg.gather [hbm4b:s5+s2], $0x80, v4, vm0, $0xb8;
	[tilespmem:$0xC080] =	vst v63  }
0x4b: {  	_ = 	snop  }
0x4c: {  	[tilespmem:s22], [sflag:$0x1] =	stream.indirect_vreg.gather [hbm4b:s3+s2], $0x80, v3, vm0, $0xb8;
	[tilespmem:$0xC080] =	vst v63  }
0x4d: {  	_ = 	snop  }
0x4e: {  	[tilespmem:s23], [sflag:$0x1] =	stream.indirect_vreg.gather [hbm4b:s4+s2], $0x80, v3, vm0, $0xb8;
	[tilespmem:$0xC080] =	vst v63  }
0x4f: {  	_ = 	snop  }
0x50: {  	[tilespmem:s24], [sflag:$0x1] =	stream.indirect_vreg.gather [hbm4b:s5+s2], $0x80, v3, vm0, $0xb8;
	[tilespmem:$0xC080] =	vst v63  }
0x51: {  	v3 =	vld [tilespmem:$0x30];
	_ =	sdelay $0x4  }
0x52: {  	v63 =	vshrl.u32 v3, $0x3  }
0x53: {  	v4 =	vmul.u32 $0x30, v63  }
0x54: {  	v3 =	vand.u32 $0x7, v3  }
0x55: {  	v3 =	vor.u32 v3, v4  }
0x56: {  	v4 =	vperm.xlane v3, v0;
	_ =	sdelay $0x1  }
0x57: {  	v4 =	vadd.s32 v1, v4;
	_ =	sdelay $0x3  }
0x58: {  	v3 =	vperm.xlane v3, v2  }
0x59: {  	[tilespmem:s25], [sflag:$0x1] =	stream.indirect_vreg.gather [hbm4b:s3+s2], $0x80, v4, vm0, $0xb8;
	[tilespmem:$0xC080] =	vst v63  }
0x5a: {  	v3 =	vadd.s32 v1, v3  }
0x5b: {  	[tilespmem:s26], [sflag:$0x1] =	stream.indirect_vreg.gather [hbm4b:s4+s2], $0x80, v4, vm0, $0xb8;
	[tilespmem:$0xC080] =	vst v63  }
0x5c: {  	_ = 	snop  }
0x5d: {  	[tilespmem:s28], [sflag:$0x1] =	stream.indirect_vreg.gather [hbm4b:s5+s2], $0x80, v4, vm0, $0xb8;
	[tilespmem:$0xC080] =	vst v63  }
0x5e: {  	_ = 	snop  }
0x5f: {  	[tilespmem:s29], [sflag:$0x1] =	stream.indirect_vreg.gather [hbm4b:s3+s2], $0x80, v3, vm0, $0xb8;
	[tilespmem:$0xC080] =	vst v63  }
0x60: {  	_ = 	snop  }
0x61: {  	[tilespmem:s30], [sflag:$0x1] =	stream.indirect_vreg.gather [hbm4b:s4+s2], $0x80, v3, vm0, $0xb8;
	[tilespmem:$0xC080] =	vst v63  }
0x62: {  	_ = 	snop  }
0x63: {  	[tilespmem:s31], [sflag:$0x1] =	stream.indirect_vreg.gather [hbm4b:s5+s2], $0x80, v3, vm0, $0xb8;
	[tilespmem:$0xC080] =	vst v63  }
0x64: {  	_ =	swait.ge [sflag:s0], $0xC000  }
0x65: {  	p0 =	sne.s32 s6, $0x1;
	[sflag:s0] =	ssyncset.done $0x0  }
.Ltmp0:
0x66: {  	s1 =	rddreg [dreg:$0x4];
	[sflag:s0] =	ssyncadd.s32 $0xFFFF4000;
	(pc) =	sbr.rel @p0 .LBB2_1-.Ltmp0, $4  }
0x67: {  	[hbm4b:s1+s2] =	stream.linear.scatter [tilespmem:s8], [sflag:$0x2], $0xC000, $0x38;
	[tilespmem:$0xC080] =	vst v63  }
0x68: {  	_ =	swait.ge [sflag:s7], $0xC000  }
0x69: {  	[sflag:s7] =	ssyncset.done $0x0  }
0x6a: {  	s6 =	sadd.s32 $0xFFFFFFFF, s6;
	[sflag:s7] =	ssyncadd.s32 $0xFFFF4000  }
0x6b: {  	_ =	sfence.sel $0x180000  }
0x6c: {  	[bflag:$0x0] =	sbarrier.arrive $0xFFFF  }
0x6d: {  	_ =	strace $0x9000004A  }
0x6e: {  	s0 =	stileid.u32;
	[bflag:$0x2] =	sbarrier.arrive $0xFFFF  }
0x6f: {  	p0 =	sne.s32 s0, $0x0;
	s0 =	rddreg [dreg:$0x2]  }
0x70: {  	s0 =	sadd.s32 @!p0 $0x100000, s0  }
0x71: {  	[sflag:s0] =	ssyncadd.tile.s32 @!p0 $0x1;
	_ =	shalt  }
.Lfunc_end2:
_tile_overlayer_lowered:
.L_overlay_start_2:
0x72: {  	(tag) =	ssettag $0x2  }
0x73: {  	s0 =	rddreg [dreg:$0x0];
	s2 =	stileid.u32  }
0x74: {  	s1 =	rddreg [dreg:$0x1];
	p0 =	sne.s32 s2, $0x0  }
0x75: {  	s3 =	rddreg [dreg:$0x2];
	[bflag:$0x3] =	sbarrier.arrive $0xFFFF;
	s2 =	simm.s32 @!p0 $0x1C02  }
0x76: {  	[timem:s3], [sflag:s2] =	dma.local @!p0 [hbm:s0], s1  }
0x77: {  	s0 =	simm.s32 @!p0 $0x2  }
0x78: {  	_ =	swait.ge @!p0 [sflag:s0], s1  }
0x79: {  	s1 =	ssub.s32 @!p0 $0x0, s1;
	[sflag:s0] =	ssyncset.done @!p0 $0x0  }
0x7a: {  	[sflag:s0] =	ssyncadd.s32 @!p0 s1  }
0x7b: {  	[bflag:$0x3] =	sbarrier.arrive $0xFFFF  }
0x7c: {  	_ =	shalt  }

</sc_bundles>
